<compile_context>
chip_gen: v7x
topology: tpu7x:2x2x1
jax: 0.10.2.dev20260603
libtpu: 0.0.44.dev20260713+nightly
codegen_flags: <defaults>
</compile_context>

<pallas_src>
import functools

import jax
import jax.numpy as jnp
from jax import lax
from jax.experimental import pallas as pl
from jax.experimental.pallas import tpu as pltpu
from jax.experimental.pallas import tpu_sc as plsc

BATCH = 16384
NUM_FIELDS = 26
NUM_WORKERS = 32
BPW = BATCH // NUM_WORKERS
IDX_PER_W = BPW * NUM_FIELDS

TABLE = 1000000
STAGE = 62464
SUB = STAGE // 4
TAIL = TABLE - 15 * STAGE - 3 * SUB

_mesh = plsc.VectorSubcoreMesh(core_axis_name="c", subcore_axis_name="s")


@functools.partial(
    pl.kernel,
    mesh=_mesh,
    out_type=jax.ShapeDtypeStruct((BATCH,), jnp.float32),
    compiler_params=pltpu.CompilerParams(needs_layout_passes=False),
    scratch_types=[
        pltpu.VMEM((IDX_PER_W,), jnp.int32),
        pltpu.VMEM((IDX_PER_W,), jnp.float32),
        pltpu.VMEM((BPW,), jnp.float32),
        pltpu.VMEM((1,), jnp.float32),
        pltpu.SemaphoreType.DMA,
        pltpu.SemaphoreType.DMA,
    ],
)
def _emb_sum(xt_hbm, tbl_hbm, bias_hbm, out_hbm, idx_v, vals_v, out_v, bias_v,
             sem_i, sem_g):
    sid = lax.axis_index("s")
    wid = sid * 2 + lax.axis_index("c")
    base = wid * BPW

    pltpu.async_copy(bias_hbm, bias_v, sem_g)
    for f in range(NUM_FIELDS):
        pltpu.async_copy(xt_hbm.at[f, pl.ds(pl.multiple_of(base, 128), BPW)],
                         idx_v.at[pl.ds(f * BPW, BPW)], sem_i)

    for f in range(NUM_FIELDS):
        pltpu.make_async_copy(
            xt_hbm.at[f, pl.ds(pl.multiple_of(base, 128), BPW)],
            idx_v.at[pl.ds(f * BPW, BPW)], sem_i).wait()
        pltpu.async_copy(tbl_hbm.at[0].at[idx_v.at[pl.ds(f * BPW, BPW)]],
                         vals_v.at[pl.ds(f * BPW, BPW)], sem_g)
    pltpu.make_async_copy(bias_hbm, bias_v, sem_g).wait()
    for f in range(NUM_FIELDS):
        pltpu.make_async_copy(tbl_hbm.at[0].at[idx_v.at[pl.ds(f * BPW, BPW)]],
                              vals_v.at[pl.ds(f * BPW, BPW)], sem_g).wait()

    zeros = jnp.zeros((16,), jnp.int32)
    bias_vec = plsc.load_gather(bias_v, [zeros])

    def red(i, c):
        b0 = i * 16
        acc = bias_vec
        for f in range(NUM_FIELDS):
            acc = acc + vals_v[pl.ds(f * BPW + b0, 16)]
        out_v[pl.ds(b0, 16)] = acc
        return c

    lax.fori_loop(0, BPW // 16, red, 0)

    pltpu.sync_copy(out_v, out_hbm.at[pl.ds(base, BPW)])


def kernel(x, fc_weight, bias):
    xt = x.astype(jnp.int32).T
    tbl = fc_weight.T
    out = _emb_sum(xt, tbl, bias)
    return out.reshape(BATCH, 1)

# --- scband reference (transcript-rebuilt; emitter-appended) ---
"""Pipeline reference for scband-features-linear-43903155700104 (READ-ONLY COPY).

The authoritative reference and input builder live on the scoring server;
editing this copy changes nothing except your own understanding.
"""

import jax, jax.numpy as jnp
import numpy as np

FIELD_DIMS = 1000000
OUTPUT_DIM = 1
BATCH = 16384
NUM_FIELDS = 26


def setup_inputs(seed: int = 0) -> dict:
    key = jax.random.key(seed)
    k_x, k_fc = jax.random.split(key)
    x = jax.random.randint(k_x, (BATCH, NUM_FIELDS), 0, FIELD_DIMS, dtype=jnp.int64 if jax.config.jax_enable_x64 else jnp.int32)
    fc_weight = jax.random.normal(k_fc, (FIELD_DIMS, OUTPUT_DIM), dtype=jnp.float32)
    bias = jnp.zeros((OUTPUT_DIM,), dtype=jnp.float32)
    return {"x": x, "fc_weight": fc_weight, "bias": bias}


def reference(x, fc_weight, bias):
    # torch.nn.Embedding lookup -> gather rows
    emb = jnp.take(fc_weight, x, axis=0)  # [B, F, output_dim]
    return jnp.sum(emb, axis=1) + bias    # [B, output_dim]

if __name__ == "__main__":
    import jax
    _d = setup_inputs()
    print(jax.jit(kernel)(*tuple(_d.values())))

</pallas_src>

<mosaic_0001>
#map = affine_map<(d0, d1) -> (0, 0)>
#map1 = affine_map<(d0, d1) -> (0)>
module attributes {stable_mosaic.version = 14 : i64} {
  func.func @_emb_sum(%arg0: i32, %arg1: i32, %arg2: memref<26x16384xi32, #tpu.memory_space<hbm>>, %arg3: memref<1x1000000xf32, #tpu.memory_space<hbm>>, %arg4: memref<1xf32, #tpu.memory_space<hbm>>, %arg5: memref<16384xf32, #tpu.memory_space<hbm>>, %arg6: memref<13312xi32, #tpu.memory_space<vmem>>, %arg7: memref<13312xf32, #tpu.memory_space<vmem>>, %arg8: memref<512xf32, #tpu.memory_space<vmem>>, %arg9: memref<1xf32, #tpu.memory_space<vmem>>, %arg10: memref<!tpu.dma_semaphore, #tpu.memory_space<semaphore_mem>>, %arg11: memref<!tpu.dma_semaphore, #tpu.memory_space<semaphore_mem>>) attributes {dimension_semantics = [#tpu.dimension_semantics<core_parallel>, #tpu.dimension_semantics<subcore_parallel>], iteration_bounds = array<i64: 2, 16>, scalar_prefetch = 0 : i64, scratch_operands = 6 : i64, tpu.core_type = #tpu.core_type<sc_vector_subcore>, window_params = [{transform_indices = #map}, {transform_indices = #map}, {transform_indices = #map1}, {transform_indices = #map1}]} {
    %mul3A = arith.constant 2 : i32
    %mul3A_0 = arith.muli %arg1, %mul3A : i32
    %add3A = arith.addi %mul3A_0, %arg0 : i32
    %mul3A_1 = arith.constant 512 : i32
    %mul3A_2 = arith.muli %add3A, %mul3A_1 : i32
    tpu.enqueue_dma source(%arg4 : memref<1xf32, #tpu.memory_space<hbm>>) target(%arg9 : memref<1xf32, #tpu.memory_space<vmem>>) target_semaphore(%arg11 : memref<!tpu.dma_semaphore, #tpu.memory_space<semaphore_mem>>)
    %multiple_of3A = tpu.assume_multiple %mul3A_2, 128 : i32
    %dma_start3A = arith.constant 0 : i32
    %dma_start3A_3 = arith.constant 0 : i32
    %dma_start3A_4 = tpu.memref_slice %arg6[%dma_start3A_3] : memref<13312xi32, #tpu.memory_space<vmem>> -> memref<512xi32, #tpu.memory_space<vmem>>
    %dma_start3A_5 = tpu.memref_slice %arg2[%dma_start3A, %multiple_of3A] : memref<26x16384xi32, #tpu.memory_space<hbm>> -> memref<1x512xi32, #tpu.memory_space<hbm>>
    %dma_start3A_6 = tpu.memref_squeeze %dma_start3A_5 : memref<1x512xi32, #tpu.memory_space<hbm>> -> memref<512xi32, #tpu.memory_space<hbm>>
    %dma_start3A_7 = arith.constant 0 : i32
    %dma_start3A_8 = tpu.memref_slice %arg6[%dma_start3A_7] : memref<13312xi32, #tpu.memory_space<vmem>> -> memref<512xi32, #tpu.memory_space<vmem>>
    %dma_start3A_9 = tpu.memref_slice %arg2[%dma_start3A, %multiple_of3A] : memref<26x16384xi32, #tpu.memory_space<hbm>> -> memref<1x512xi32, #tpu.memory_space<hbm>>
    %dma_start3A_10 = tpu.memref_squeeze %dma_start3A_9 : memref<1x512xi32, #tpu.memory_space<hbm>> -> memref<512xi32, #tpu.memory_space<hbm>>
    tpu.enqueue_dma source(%dma_start3A_10 : memref<512xi32, #tpu.memory_space<hbm>>) target(%dma_start3A_8 : memref<512xi32, #tpu.memory_space<vmem>>) target_semaphore(%arg10 : memref<!tpu.dma_semaphore, #tpu.memory_space<semaphore_mem>>)
    %multiple_of3A_11 = tpu.assume_multiple %mul3A_2, 128 : i32
    %dma_start3A_12 = arith.constant 1 : i32
    %dma_start3A_13 = arith.constant 512 : i32
    %dma_start3A_14 = tpu.memref_slice %arg6[%dma_start3A_13] : memref<13312xi32, #tpu.memory_space<vmem>> -> memref<512xi32, #tpu.memory_space<vmem>>
    %dma_start3A_15 = tpu.memref_slice %arg2[%dma_start3A_12, %multiple_of3A_11] : memref<26x16384xi32, #tpu.memory_space<hbm>> -> memref<1x512xi32, #tpu.memory_space<hbm>>
    %dma_start3A_16 = tpu.memref_squeeze %dma_start3A_15 : memref<1x512xi32, #tpu.memory_space<hbm>> -> memref<512xi32, #tpu.memory_space<hbm>>
    %dma_start3A_17 = arith.constant 512 : i32
    %dma_start3A_18 = tpu.memref_slice %arg6[%dma_start3A_17] : memref<13312xi32, #tpu.memory_space<vmem>> -> memref<512xi32, #tpu.memory_space<vmem>>
    %dma_start3A_19 = tpu.memref_slice %arg2[%dma_start3A_12, %multiple_of3A_11] : memref<26x16384xi32, #tpu.memory_space<hbm>> -> memref<1x512xi32, #tpu.memory_space<hbm>>
    %dma_start3A_20 = tpu.memref_squeeze %dma_start3A_19 : memref<1x512xi32, #tpu.memory_space<hbm>> -> memref<512xi32, #tpu.memory_space<hbm>>
    tpu.enqueue_dma source(%dma_start3A_20 : memref<512xi32, #tpu.memory_space<hbm>>) target(%dma_start3A_18 : memref<512xi32, #tpu.memory_space<vmem>>) target_semaphore(%arg10 : memref<!tpu.dma_semaphore, #tpu.memory_space<semaphore_mem>>)
    %multiple_of3A_21 = tpu.assume_multiple %mul3A_2, 128 : i32
    %dma_start3A_22 = arith.constant 2 : i32
    %dma_start3A_23 = arith.constant 1024 : i32
    %dma_start3A_24 = tpu.memref_slice %arg6[%dma_start3A_23] : memref<13312xi32, #tpu.memory_space<vmem>> -> memref<512xi32, #tpu.memory_space<vmem>>
    %dma_start3A_25 = tpu.memref_slice %arg2[%dma_start3A_22, %multiple_of3A_21] : memref<26x16384xi32, #tpu.memory_space<hbm>> -> memref<1x512xi32, #tpu.memory_space<hbm>>
    %dma_start3A_26 = tpu.memref_squeeze %dma_start3A_25 : memref<1x512xi32, #tpu.memory_space<hbm>> -> memref<512xi32, #tpu.memory_space<hbm>>
    %dma_start3A_27 = arith.constant 1024 : i32
    %dma_start3A_28 = tpu.memref_slice %arg6[%dma_start3A_27] : memref<13312xi32, #tpu.memory_space<vmem>> -> memref<512xi32, #tpu.memory_space<vmem>>
    %dma_start3A_29 = tpu.memref_slice %arg2[%dma_start3A_22, %multiple_of3A_21] : memref<26x16384xi32, #tpu.memory_space<hbm>> -> memref<1x512xi32, #tpu.memory_space<hbm>>
    %dma_start3A_30 = tpu.memref_squeeze %dma_start3A_29 : memref<1x512xi32, #tpu.memory_space<hbm>> -> memref<512xi32, #tpu.memory_space<hbm>>
    tpu.enqueue_dma source(%dma_start3A_30 : memref<512xi32, #tpu.memory_space<hbm>>) target(%dma_start3A_28 : memref<512xi32, #tpu.memory_space<vmem>>) target_semaphore(%arg10 : memref<!tpu.dma_semaphore, #tpu.memory_space<semaphore_mem>>)
    %multiple_of3A_31 = tpu.assume_multiple %mul3A_2, 128 : i32
    %dma_start3A_32 = arith.constant 3 : i32
    %dma_start3A_33 = arith.constant 1536 : i32
    %dma_start3A_34 = tpu.memref_slice %arg6[%dma_start3A_33] : memref<13312xi32, #tpu.memory_space<vmem>> -> memref<512xi32, #tpu.memory_space<vmem>>
    %dma_start3A_35 = tpu.memref_slice %arg2[%dma_start3A_32, %multiple_of3A_31] : memref<26x16384xi32, #tpu.memory_space<hbm>> -> memref<1x512xi32, #tpu.memory_space<hbm>>
    %dma_start3A_36 = tpu.memref_squeeze %dma_start3A_35 : memref<1x512xi32, #tpu.memory_space<hbm>> -> memref<512xi32, #tpu.memory_space<hbm>>
    %dma_start3A_37 = arith.constant 1536 : i32
    %dma_start3A_38 = tpu.memref_slice %arg6[%dma_start3A_37] : memref<13312xi32, #tpu.memory_space<vmem>> -> memref<512xi32, #tpu.memory_space<vmem>>
    %dma_start3A_39 = tpu.memref_slice %arg2[%dma_start3A_32, %multiple_of3A_31] : memref<26x16384xi32, #tpu.memory_space<hbm>> -> memref<1x512xi32, #tpu.memory_space<hbm>>
    %dma_start3A_40 = tpu.memref_squeeze %dma_start3A_39 : memref<1x512xi32, #tpu.memory_space<hbm>> -> memref<512xi32, #tpu.memory_space<hbm>>
    tpu.enqueue_dma source(%dma_start3A_40 : memref<512xi32, #tpu.memory_space<hbm>>) target(%dma_start3A_38 : memref<512xi32, #tpu.memory_space<vmem>>) target_semaphore(%arg10 : memref<!tpu.dma_semaphore, #tpu.memory_space<semaphore_mem>>)
    %multiple_of3A_41 = tpu.assume_multiple %mul3A_2, 128 : i32
    %dma_start3A_42 = arith.constant 4 : i32
    %dma_start3A_43 = arith.constant 2048 : i32
    %dma_start3A_44 = tpu.memref_slice %arg6[%dma_start3A_43] : memref<13312xi32, #tpu.memory_space<vmem>> -> memref<512xi32, #tpu.memory_space<vmem>>
    %dma_start3A_45 = tpu.memref_slice %arg2[%dma_start3A_42, %multiple_of3A_41] : memref<26x16384xi32, #tpu.memory_space<hbm>> -> memref<1x512xi32, #tpu.memory_space<hbm>>
    %dma_start3A_46 = tpu.memref_squeeze %dma_start3A_45 : memref<1x512xi32, #tpu.memory_space<hbm>> -> memref<512xi32, #tpu.memory_space<hbm>>
    %dma_start3A_47 = arith.constant 2048 : i32
    %dma_start3A_48 = tpu.memref_slice %arg6[%dma_start3A_47] : memref<13312xi32, #tpu.memory_space<vmem>> -> memref<512xi32, #tpu.memory_space<vmem>>
    %dma_start3A_49 = tpu.memref_slice %arg2[%dma_start3A_42, %multiple_of3A_41] : memref<26x16384xi32, #tpu.memory_space<hbm>> -> memref<1x512xi32, #tpu.memory_space<hbm>>
    %dma_start3A_50 = tpu.memref_squeeze %dma_start3A_49 : memref<1x512xi32, #tpu.memory_space<hbm>> -> memref<512xi32, #tpu.memory_space<hbm>>
    tpu.enqueue_dma source(%dma_start3A_50 : memref<512xi32, #tpu.memory_space<hbm>>) target(%dma_start3A_48 : memref<512xi32, #tpu.memory_space<vmem>>) target_semaphore(%arg10 : memref<!tpu.dma_semaphore, #tpu.memory_space<semaphore_mem>>)
    %multiple_of3A_51 = tpu.assume_multiple %mul3A_2, 128 : i32
    %dma_start3A_52 = arith.constant 5 : i32
    %dma_start3A_53 = arith.constant 2560 : i32
    %dma_start3A_54 = tpu.memref_slice %arg6[%dma_start3A_53] : memref<13312xi32, #tpu.memory_space<vmem>> -> memref<512xi32, #tpu.memory_space<vmem>>
    %dma_start3A_55 = tpu.memref_slice %arg2[%dma_start3A_52, %multiple_of3A_51] : memref<26x16384xi32, #tpu.memory_space<hbm>> -> memref<1x512xi32, #tpu.memory_space<hbm>>
    %dma_start3A_56 = tpu.memref_squeeze %dma_start3A_55 : memref<1x512xi32, #tpu.memory_space<hbm>> -> memref<512xi32, #tpu.memory_space<hbm>>
    %dma_start3A_57 = arith.constant 2560 : i32
    %dma_start3A_58 = tpu.memref_slice %arg6[%dma_start3A_57] : memref<13312xi32, #tpu.memory_space<vmem>> -> memref<512xi32, #tpu.memory_space<vmem>>
    %dma_start3A_59 = tpu.memref_slice %arg2[%dma_start3A_52, %multiple_of3A_51] : memref<26x16384xi32, #tpu.memory_space<hbm>> -> memref<1x512xi32, #tpu.memory_space<hbm>>
    %dma_start3A_60 = tpu.memref_squeeze %dma_start3A_59 : memref<1x512xi32, #tpu.memory_space<hbm>> -> memref<512xi32, #tpu.memory_space<hbm>>
    tpu.enqueue_dma source(%dma_start3A_60 : memref<512xi32, #tpu.memory_space<hbm>>) target(%dma_start3A_58 : memref<512xi32, #tpu.memory_space<vmem>>) target_semaphore(%arg10 : memref<!tpu.dma_semaphore, #tpu.memory_space<semaphore_mem>>)
    %multiple_of3A_61 = tpu.assume_multiple %mul3A_2, 128 : i32
    %dma_start3A_62 = arith.constant 6 : i32
    %dma_start3A_63 = arith.constant 3072 : i32
    %dma_start3A_64 = tpu.memref_slice %arg6[%dma_start3A_63] : memref<13312xi32, #tpu.memory_space<vmem>> -> memref<512xi32, #tpu.memory_space<vmem>>
    %dma_start3A_65 = tpu.memref_slice %arg2[%dma_start3A_62, %multiple_of3A_61] : memref<26x16384xi32, #tpu.memory_space<hbm>> -> memref<1x512xi32, #tpu.memory_space<hbm>>
    %dma_start3A_66 = tpu.memref_squeeze %dma_start3A_65 : memref<1x512xi32, #tpu.memory_space<hbm>> -> memref<512xi32, #tpu.memory_space<hbm>>
    %dma_start3A_67 = arith.constant 3072 : i32
    %dma_start3A_68 = tpu.memref_slice %arg6[%dma_start3A_67] : memref<13312xi32, #tpu.memory_space<vmem>> -> memref<512xi32, #tpu.memory_space<vmem>>
    %dma_start3A_69 = tpu.memref_slice %arg2[%dma_start3A_62, %multiple_of3A_61] : memref<26x16384xi32, #tpu.memory_space<hbm>> -> memref<1x512xi32, #tpu.memory_space<hbm>>
    %dma_start3A_70 = tpu.memref_squeeze %dma_start3A_69 : memref<1x512xi32, #tpu.memory_space<hbm>> -> memref<512xi32, #tpu.memory_space<hbm>>
    tpu.enqueue_dma source(%dma_start3A_70 : memref<512xi32, #tpu.memory_space<hbm>>) target(%dma_start3A_68 : memref<512xi32, #tpu.memory_space<vmem>>) target_semaphore(%arg10 : memref<!tpu.dma_semaphore, #tpu.memory_space<semaphore_mem>>)
    %multiple_of3A_71 = tpu.assume_multiple %mul3A_2, 128 : i32
    %dma_start3A_72 = arith.constant 7 : i32
    %dma_start3A_73 = arith.constant 3584 : i32
    %dma_start3A_74 = tpu.memref_slice %arg6[%dma_start3A_73] : memref<13312xi32, #tpu.memory_space<vmem>> -> memref<512xi32, #tpu.memory_space<vmem>>
    %dma_start3A_75 = tpu.memref_slice %arg2[%dma_start3A_72, %multiple_of3A_71] : memref<26x16384xi32, #tpu.memory_space<hbm>> -> memref<1x512xi32, #tpu.memory_space<hbm>>
    %dma_start3A_76 = tpu.memref_squeeze %dma_start3A_75 : memref<1x512xi32, #tpu.memory_space<hbm>> -> memref<512xi32, #tpu.memory_space<hbm>>
    %dma_start3A_77 = arith.constant 3584 : i32
    %dma_start3A_78 = tpu.memref_slice %arg6[%dma_start3A_77] : memref<13312xi32, #tpu.memory_space<vmem>> -> memref<512xi32, #tpu.memory_space<vmem>>
    %dma_start3A_79 = tpu.memref_slice %arg2[%dma_start3A_72, %multiple_of3A_71] : memref<26x16384xi32, #tpu.memory_space<hbm>> -> memref<1x512xi32, #tpu.memory_space<hbm>>
    %dma_start3A_80 = tpu.memref_squeeze %dma_start3A_79 : memref<1x512xi32, #tpu.memory_space<hbm>> -> memref<512xi32, #tpu.memory_space<hbm>>
    tpu.enqueue_dma source(%dma_start3A_80 : memref<512xi32, #tpu.memory_space<hbm>>) target(%dma_start3A_78 : memref<512xi32, #tpu.memory_space<vmem>>) target_semaphore(%arg10 : memref<!tpu.dma_semaphore, #tpu.memory_space<semaphore_mem>>)
    %multiple_of3A_81 = tpu.assume_multiple %mul3A_2, 128 : i32
    %dma_start3A_82 = arith.constant 8 : i32
    %dma_start3A_83 = arith.constant 4096 : i32
    %dma_start3A_84 = tpu.memref_slice %arg6[%dma_start3A_83] : memref<13312xi32, #tpu.memory_space<vmem>> -> memref<512xi32, #tpu.memory_space<vmem>>
    %dma_start3A_85 = tpu.memref_slice %arg2[%dma_start3A_82, %multiple_of3A_81] : memref<26x16384xi32, #tpu.memory_space<hbm>> -> memref<1x512xi32, #tpu.memory_space<hbm>>
    %dma_start3A_86 = tpu.memref_squeeze %dma_start3A_85 : memref<1x512xi32, #tpu.memory_space<hbm>> -> memref<512xi32, #tpu.memory_space<hbm>>
    %dma_start3A_87 = arith.constant 4096 : i32
    %dma_start3A_88 = tpu.memref_slice %arg6[%dma_start3A_87] : memref<13312xi32, #tpu.memory_space<vmem>> -> memref<512xi32, #tpu.memory_space<vmem>>
    %dma_start3A_89 = tpu.memref_slice %arg2[%dma_start3A_82, %multiple_of3A_81] : memref<26x16384xi32, #tpu.memory_space<hbm>> -> memref<1x512xi32, #tpu.memory_space<hbm>>
    %dma_start3A_90 = tpu.memref_squeeze %dma_start3A_89 : memref<1x512xi32, #tpu.memory_space<hbm>> -> memref<512xi32, #tpu.memory_space<hbm>>
    tpu.enqueue_dma source(%dma_start3A_90 : memref<512xi32, #tpu.memory_space<hbm>>) target(%dma_start3A_88 : memref<512xi32, #tpu.memory_space<vmem>>) target_semaphore(%arg10 : memref<!tpu.dma_semaphore, #tpu.memory_space<semaphore_mem>>)
    %multiple_of3A_91 = tpu.assume_multiple %mul3A_2, 128 : i32
    %dma_start3A_92 = arith.constant 9 : i32
    %dma_start3A_93 = arith.constant 4608 : i32
    %dma_start3A_94 = tpu.memref_slice %arg6[%dma_start3A_93] : memref<13312xi32, #tpu.memory_space<vmem>> -> memref<512xi32, #tpu.memory_space<vmem>>
    %dma_start3A_95 = tpu.memref_slice %arg2[%dma_start3A_92, %multiple_of3A_91] : memref<26x16384xi32, #tpu.memory_space<hbm>> -> memref<1x512xi32, #tpu.memory_space<hbm>>
    %dma_start3A_96 = tpu.memref_squeeze %dma_start3A_95 : memref<1x512xi32, #tpu.memory_space<hbm>> -> memref<512xi32, #tpu.memory_space<hbm>>
    %dma_start3A_97 = arith.constant 4608 : i32
    %dma_start3A_98 = tpu.memref_slice %arg6[%dma_start3A_97] : memref<13312xi32, #tpu.memory_space<vmem>> -> memref<512xi32, #tpu.memory_space<vmem>>
    %dma_start3A_99 = tpu.memref_slice %arg2[%dma_start3A_92, %multiple_of3A_91] : memref<26x16384xi32, #tpu.memory_space<hbm>> -> memref<1x512xi32, #tpu.memory_space<hbm>>
    %dma_start3A_100 = tpu.memref_squeeze %dma_start3A_99 : memref<1x512xi32, #tpu.memory_space<hbm>> -> memref<512xi32, #tpu.memory_space<hbm>>
    tpu.enqueue_dma source(%dma_start3A_100 : memref<512xi32, #tpu.memory_space<hbm>>) target(%dma_start3A_98 : memref<512xi32, #tpu.memory_space<vmem>>) target_semaphore(%arg10 : memref<!tpu.dma_semaphore, #tpu.memory_space<semaphore_mem>>)
    %multiple_of3A_101 = tpu.assume_multiple %mul3A_2, 128 : i32
    %dma_start3A_102 = arith.constant 10 : i32
    %dma_start3A_103 = arith.constant 5120 : i32
    %dma_start3A_104 = tpu.memref_slice %arg6[%dma_start3A_103] : memref<13312xi32, #tpu.memory_space<vmem>> -> memref<512xi32, #tpu.memory_space<vmem>>
    %dma_start3A_105 = tpu.memref_slice %arg2[%dma_start3A_102, %multiple_of3A_101] : memref<26x16384xi32, #tpu.memory_space<hbm>> -> memref<1x512xi32, #tpu.memory_space<hbm>>
    %dma_start3A_106 = tpu.memref_squeeze %dma_start3A_105 : memref<1x512xi32, #tpu.memory_space<hbm>> -> memref<512xi32, #tpu.memory_space<hbm>>
    %dma_start3A_107 = arith.constant 5120 : i32
    %dma_start3A_108 = tpu.memref_slice %arg6[%dma_start3A_107] : memref<13312xi32, #tpu.memory_space<vmem>> -> memref<512xi32, #tpu.memory_space<vmem>>
    %dma_start3A_109 = tpu.memref_slice %arg2[%dma_start3A_102, %multiple_of3A_101] : memref<26x16384xi32, #tpu.memory_space<hbm>> -> memref<1x512xi32, #tpu.memory_space<hbm>>
    %dma_start3A_110 = tpu.memref_squeeze %dma_start3A_109 : memref<1x512xi32, #tpu.memory_space<hbm>> -> memref<512xi32, #tpu.memory_space<hbm>>
    tpu.enqueue_dma source(%dma_start3A_110 : memref<512xi32, #tpu.memory_space<hbm>>) target(%dma_start3A_108 : memref<512xi32, #tpu.memory_space<vmem>>) target_semaphore(%arg10 : memref<!tpu.dma_semaphore, #tpu.memory_space<semaphore_mem>>)
    %multiple_of3A_111 = tpu.assume_multiple %mul3A_2, 128 : i32
    %dma_start3A_112 = arith.constant 11 : i32
    %dma_start3A_113 = arith.constant 5632 : i32
    %dma_start3A_114 = tpu.memref_slice %arg6[%dma_start3A_113] : memref<13312xi32, #tpu.memory_space<vmem>> -> memref<512xi32, #tpu.memory_space<vmem>>
    %dma_start3A_115 = tpu.memref_slice %arg2[%dma_start3A_112, %multiple_of3A_111] : memref<26x16384xi32, #tpu.memory_space<hbm>> -> memref<1x512xi32, #tpu.memory_space<hbm>>
    %dma_start3A_116 = tpu.memref_squeeze %dma_start3A_115 : memref<1x512xi32, #tpu.memory_space<hbm>> -> memref<512xi32, #tpu.memory_space<hbm>>
    %dma_start3A_117 = arith.constant 5632 : i32
    %dma_start3A_118 = tpu.memref_slice %arg6[%dma_start3A_117] : memref<13312xi32, #tpu.memory_space<vmem>> -> memref<512xi32, #tpu.memory_space<vmem>>
    %dma_start3A_119 = tpu.memref_slice %arg2[%dma_start3A_112, %multiple_of3A_111] : memref<26x16384xi32, #tpu.memory_space<hbm>> -> memref<1x512xi32, #tpu.memory_space<hbm>>
    %dma_start3A_120 = tpu.memref_squeeze %dma_start3A_119 : memref<1x512xi32, #tpu.memory_space<hbm>> -> memref<512xi32, #tpu.memory_space<hbm>>
    tpu.enqueue_dma source(%dma_start3A_120 : memref<512xi32, #tpu.memory_space<hbm>>) target(%dma_start3A_118 : memref<512xi32, #tpu.memory_space<vmem>>) target_semaphore(%arg10 : memref<!tpu.dma_semaphore, #tpu.memory_space<semaphore_mem>>)
    %multiple_of3A_121 = tpu.assume_multiple %mul3A_2, 128 : i32
    %dma_start3A_122 = arith.constant 12 : i32
    %dma_start3A_123 = arith.constant 6144 : i32
    %dma_start3A_124 = tpu.memref_slice %arg6[%dma_start3A_123] : memref<13312xi32, #tpu.memory_space<vmem>> -> memref<512xi32, #tpu.memory_space<vmem>>
    %dma_start3A_125 = tpu.memref_slice %arg2[%dma_start3A_122, %multiple_of3A_121] : memref<26x16384xi32, #tpu.memory_space<hbm>> -> memref<1x512xi32, #tpu.memory_space<hbm>>
    %dma_start3A_126 = tpu.memref_squeeze %dma_start3A_125 : memref<1x512xi32, #tpu.memory_space<hbm>> -> memref<512xi32, #tpu.memory_space<hbm>>
    %dma_start3A_127 = arith.constant 6144 : i32
    %dma_start3A_128 = tpu.memref_slice %arg6[%dma_start3A_127] : memref<13312xi32, #tpu.memory_space<vmem>> -> memref<512xi32, #tpu.memory_space<vmem>>
    %dma_start3A_129 = tpu.memref_slice %arg2[%dma_start3A_122, %multiple_of3A_121] : memref<26x16384xi32, #tpu.memory_space<hbm>> -> memref<1x512xi32, #tpu.memory_space<hbm>>
    %dma_start3A_130 = tpu.memref_squeeze %dma_start3A_129 : memref<1x512xi32, #tpu.memory_space<hbm>> -> memref<512xi32, #tpu.memory_space<hbm>>
    tpu.enqueue_dma source(%dma_start3A_130 : memref<512xi32, #tpu.memory_space<hbm>>) target(%dma_start3A_128 : memref<512xi32, #tpu.memory_space<vmem>>) target_semaphore(%arg10 : memref<!tpu.dma_semaphore, #tpu.memory_space<semaphore_mem>>)
    %multiple_of3A_131 = tpu.assume_multiple %mul3A_2, 128 : i32
    %dma_start3A_132 = arith.constant 13 : i32
    %dma_start3A_133 = arith.constant 6656 : i32
    %dma_start3A_134 = tpu.memref_slice %arg6[%dma_start3A_133] : memref<13312xi32, #tpu.memory_space<vmem>> -> memref<512xi32, #tpu.memory_space<vmem>>
    %dma_start3A_135 = tpu.memref_slice %arg2[%dma_start3A_132, %multiple_of3A_131] : memref<26x16384xi32, #tpu.memory_space<hbm>> -> memref<1x512xi32, #tpu.memory_space<hbm>>
    %dma_start3A_136 = tpu.memref_squeeze %dma_start3A_135 : memref<1x512xi32, #tpu.memory_space<hbm>> -> memref<512xi32, #tpu.memory_space<hbm>>
    %dma_start3A_137 = arith.constant 6656 : i32
    %dma_start3A_138 = tpu.memref_slice %arg6[%dma_start3A_137] : memref<13312xi32, #tpu.memory_space<vmem>> -> memref<512xi32, #tpu.memory_space<vmem>>
    %dma_start3A_139 = tpu.memref_slice %arg2[%dma_start3A_132, %multiple_of3A_131] : memref<26x16384xi32, #tpu.memory_space<hbm>> -> memref<1x512xi32, #tpu.memory_space<hbm>>
    %dma_start3A_140 = tpu.memref_squeeze %dma_start3A_139 : memref<1x512xi32, #tpu.memory_space<hbm>> -> memref<512xi32, #tpu.memory_space<hbm>>
    tpu.enqueue_dma source(%dma_start3A_140 : memref<512xi32, #tpu.memory_space<hbm>>) target(%dma_start3A_138 : memref<512xi32, #tpu.memory_space<vmem>>) target_semaphore(%arg10 : memref<!tpu.dma_semaphore, #tpu.memory_space<semaphore_mem>>)
    %multiple_of3A_141 = tpu.assume_multiple %mul3A_2, 128 : i32
    %dma_start3A_142 = arith.constant 14 : i32
    %dma_start3A_143 = arith.constant 7168 : i32
    %dma_start3A_144 = tpu.memref_slice %arg6[%dma_start3A_143] : memref<13312xi32, #tpu.memory_space<vmem>> -> memref<512xi32, #tpu.memory_space<vmem>>
    %dma_start3A_145 = tpu.memref_slice %arg2[%dma_start3A_142, %multiple_of3A_141] : memref<26x16384xi32, #tpu.memory_space<hbm>> -> memref<1x512xi32, #tpu.memory_space<hbm>>
    %dma_start3A_146 = tpu.memref_squeeze %dma_start3A_145 : memref<1x512xi32, #tpu.memory_space<hbm>> -> memref<512xi32, #tpu.memory_space<hbm>>
    %dma_start3A_147 = arith.constant 7168 : i32
    %dma_start3A_148 = tpu.memref_slice %arg6[%dma_start3A_147] : memref<13312xi32, #tpu.memory_space<vmem>> -> memref<512xi32, #tpu.memory_space<vmem>>
    %dma_start3A_149 = tpu.memref_slice %arg2[%dma_start3A_142, %multiple_of3A_141] : memref<26x16384xi32, #tpu.memory_space<hbm>> -> memref<1x512xi32, #tpu.memory_space<hbm>>
    %dma_start3A_150 = tpu.memref_squeeze %dma_start3A_149 : memref<1x512xi32, #tpu.memory_space<hbm>> -> memref<512xi32, #tpu.memory_space<hbm>>
    tpu.enqueue_dma source(%dma_start3A_150 : memref<512xi32, #tpu.memory_space<hbm>>) target(%dma_start3A_148 : memref<512xi32, #tpu.memory_space<vmem>>) target_semaphore(%arg10 : memref<!tpu.dma_semaphore, #tpu.memory_space<semaphore_mem>>)
    %multiple_of3A_151 = tpu.assume_multiple %mul3A_2, 128 : i32
    %dma_start3A_152 = arith.constant 15 : i32
    %dma_start3A_153 = arith.constant 7680 : i32
    %dma_start3A_154 = tpu.memref_slice %arg6[%dma_start3A_153] : memref<13312xi32, #tpu.memory_space<vmem>> -> memref<512xi32, #tpu.memory_space<vmem>>
    %dma_start3A_155 = tpu.memref_slice %arg2[%dma_start3A_152, %multiple_of3A_151] : memref<26x16384xi32, #tpu.memory_space<hbm>> -> memref<1x512xi32, #tpu.memory_space<hbm>>
    %dma_start3A_156 = tpu.memref_squeeze %dma_start3A_155 : memref<1x512xi32, #tpu.memory_space<hbm>> -> memref<512xi32, #tpu.memory_space<hbm>>
    %dma_start3A_157 = arith.constant 7680 : i32
    %dma_start3A_158 = tpu.memref_slice %arg6[%dma_start3A_157] : memref<13312xi32, #tpu.memory_space<vmem>> -> memref<512xi32, #tpu.memory_space<vmem>>
    %dma_start3A_159 = tpu.memref_slice %arg2[%dma_start3A_152, %multiple_of3A_151] : memref<26x16384xi32, #tpu.memory_space<hbm>> -> memref<1x512xi32, #tpu.memory_space<hbm>>
    %dma_start3A_160 = tpu.memref_squeeze %dma_start3A_159 : memref<1x512xi32, #tpu.memory_space<hbm>> -> memref<512xi32, #tpu.memory_space<hbm>>
    tpu.enqueue_dma source(%dma_start3A_160 : memref<512xi32, #tpu.memory_space<hbm>>) target(%dma_start3A_158 : memref<512xi32, #tpu.memory_space<vmem>>) target_semaphore(%arg10 : memref<!tpu.dma_semaphore, #tpu.memory_space<semaphore_mem>>)
    %multiple_of3A_161 = tpu.assume_multiple %mul3A_2, 128 : i32
    %dma_start3A_162 = arith.constant 16 : i32
    %dma_start3A_163 = arith.constant 8192 : i32
    %dma_start3A_164 = tpu.memref_slice %arg6[%dma_start3A_163] : memref<13312xi32, #tpu.memory_space<vmem>> -> memref<512xi32, #tpu.memory_space<vmem>>
    %dma_start3A_165 = tpu.memref_slice %arg2[%dma_start3A_162, %multiple_of3A_161] : memref<26x16384xi32, #tpu.memory_space<hbm>> -> memref<1x512xi32, #tpu.memory_space<hbm>>
    %dma_start3A_166 = tpu.memref_squeeze %dma_start3A_165 : memref<1x512xi32, #tpu.memory_space<hbm>> -> memref<512xi32, #tpu.memory_space<hbm>>
    %dma_start3A_167 = arith.constant 8192 : i32
    %dma_start3A_168 = tpu.memref_slice %arg6[%dma_start3A_167] : memref<13312xi32, #tpu.memory_space<vmem>> -> memref<512xi32, #tpu.memory_space<vmem>>
    %dma_start3A_169 = tpu.memref_slice %arg2[%dma_start3A_162, %multiple_of3A_161] : memref<26x16384xi32, #tpu.memory_space<hbm>> -> memref<1x512xi32, #tpu.memory_space<hbm>>
    %dma_start3A_170 = tpu.memref_squeeze %dma_start3A_169 : memref<1x512xi32, #tpu.memory_space<hbm>> -> memref<512xi32, #tpu.memory_space<hbm>>
    tpu.enqueue_dma source(%dma_start3A_170 : memref<512xi32, #tpu.memory_space<hbm>>) target(%dma_start3A_168 : memref<512xi32, #tpu.memory_space<vmem>>) target_semaphore(%arg10 : memref<!tpu.dma_semaphore, #tpu.memory_space<semaphore_mem>>)
    %multiple_of3A_171 = tpu.assume_multiple %mul3A_2, 128 : i32
    %dma_start3A_172 = arith.constant 17 : i32
    %dma_start3A_173 = arith.constant 8704 : i32
    %dma_start3A_174 = tpu.memref_slice %arg6[%dma_start3A_173] : memref<13312xi32, #tpu.memory_space<vmem>> -> memref<512xi32, #tpu.memory_space<vmem>>
    %dma_start3A_175 = tpu.memref_slice %arg2[%dma_start3A_172, %multiple_of3A_171] : memref<26x16384xi32, #tpu.memory_space<hbm>> -> memref<1x512xi32, #tpu.memory_space<hbm>>
    %dma_start3A_176 = tpu.memref_squeeze %dma_start3A_175 : memref<1x512xi32, #tpu.memory_space<hbm>> -> memref<512xi32, #tpu.memory_space<hbm>>
    %dma_start3A_177 = arith.constant 8704 : i32
    %dma_start3A_178 = tpu.memref_slice %arg6[%dma_start3A_177] : memref<13312xi32, #tpu.memory_space<vmem>> -> memref<512xi32, #tpu.memory_space<vmem>>
    %dma_start3A_179 = tpu.memref_slice %arg2[%dma_start3A_172, %multiple_of3A_171] : memref<26x16384xi32, #tpu.memory_space<hbm>> -> memref<1x512xi32, #tpu.memory_space<hbm>>
    %dma_start3A_180 = tpu.memref_squeeze %dma_start3A_179 : memref<1x512xi32, #tpu.memory_space<hbm>> -> memref<512xi32, #tpu.memory_space<hbm>>
    tpu.enqueue_dma source(%dma_start3A_180 : memref<512xi32, #tpu.memory_space<hbm>>) target(%dma_start3A_178 : memref<512xi32, #tpu.memory_space<vmem>>) target_semaphore(%arg10 : memref<!tpu.dma_semaphore, #tpu.memory_space<semaphore_mem>>)
    %multiple_of3A_181 = tpu.assume_multiple %mul3A_2, 128 : i32
    %dma_start3A_182 = arith.constant 18 : i32
    %dma_start3A_183 = arith.constant 9216 : i32
    %dma_start3A_184 = tpu.memref_slice %arg6[%dma_start3A_183] : memref<13312xi32, #tpu.memory_space<vmem>> -> memref<512xi32, #tpu.memory_space<vmem>>
    %dma_start3A_185 = tpu.memref_slice %arg2[%dma_start3A_182, %multiple_of3A_181] : memref<26x16384xi32, #tpu.memory_space<hbm>> -> memref<1x512xi32, #tpu.memory_space<hbm>>
    %dma_start3A_186 = tpu.memref_squeeze %dma_start3A_185 : memref<1x512xi32, #tpu.memory_space<hbm>> -> memref<512xi32, #tpu.memory_space<hbm>>
    %dma_start3A_187 = arith.constant 9216 : i32
    %dma_start3A_188 = tpu.memref_slice %arg6[%dma_start3A_187] : memref<13312xi32, #tpu.memory_space<vmem>> -> memref<512xi32, #tpu.memory_space<vmem>>
    %dma_start3A_189 = tpu.memref_slice %arg2[%dma_start3A_182, %multiple_of3A_181] : memref<26x16384xi32, #tpu.memory_space<hbm>> -> memref<1x512xi32, #tpu.memory_space<hbm>>
    %dma_start3A_190 = tpu.memref_squeeze %dma_start3A_189 : memref<1x512xi32, #tpu.memory_space<hbm>> -> memref<512xi32, #tpu.memory_space<hbm>>
    tpu.enqueue_dma source(%dma_start3A_190 : memref<512xi32, #tpu.memory_space<hbm>>) target(%dma_start3A_188 : memref<512xi32, #tpu.memory_space<vmem>>) target_semaphore(%arg10 : memref<!tpu.dma_semaphore, #tpu.memory_space<semaphore_mem>>)
    %multiple_of3A_191 = tpu.assume_multiple %mul3A_2, 128 : i32
    %dma_start3A_192 = arith.constant 19 : i32
    %dma_start3A_193 = arith.constant 9728 : i32
    %dma_start3A_194 = tpu.memref_slice %arg6[%dma_start3A_193] : memref<13312xi32, #tpu.memory_space<vmem>> -> memref<512xi32, #tpu.memory_space<vmem>>
    %dma_start3A_195 = tpu.memref_slice %arg2[%dma_start3A_192, %multiple_of3A_191] : memref<26x16384xi32, #tpu.memory_space<hbm>> -> memref<1x512xi32, #tpu.memory_space<hbm>>
    %dma_start3A_196 = tpu.memref_squeeze %dma_start3A_195 : memref<1x512xi32, #tpu.memory_space<hbm>> -> memref<512xi32, #tpu.memory_space<hbm>>
    %dma_start3A_197 = arith.constant 9728 : i32
    %dma_start3A_198 = tpu.memref_slice %arg6[%dma_start3A_197] : memref<13312xi32, #tpu.memory_space<vmem>> -> memref<512xi32, #tpu.memory_space<vmem>>
    %dma_start3A_199 = tpu.memref_slice %arg2[%dma_start3A_192, %multiple_of3A_191] : memref<26x16384xi32, #tpu.memory_space<hbm>> -> memref<1x512xi32, #tpu.memory_space<hbm>>
    %dma_start3A_200 = tpu.memref_squeeze %dma_start3A_199 : memref<1x512xi32, #tpu.memory_space<hbm>> -> memref<512xi32, #tpu.memory_space<hbm>>
    tpu.enqueue_dma source(%dma_start3A_200 : memref<512xi32, #tpu.memory_space<hbm>>) target(%dma_start3A_198 : memref<512xi32, #tpu.memory_space<vmem>>) target_semaphore(%arg10 : memref<!tpu.dma_semaphore, #tpu.memory_space<semaphore_mem>>)
    %multiple_of3A_201 = tpu.assume_multiple %mul3A_2, 128 : i32
    %dma_start3A_202 = arith.constant 20 : i32
    %dma_start3A_203 = arith.constant 10240 : i32
    %dma_start3A_204 = tpu.memref_slice %arg6[%dma_start3A_203] : memref<13312xi32, #tpu.memory_space<vmem>> -> memref<512xi32, #tpu.memory_space<vmem>>
    %dma_start3A_205 = tpu.memref_slice %arg2[%dma_start3A_202, %multiple_of3A_201] : memref<26x16384xi32, #tpu.memory_space<hbm>> -> memref<1x512xi32, #tpu.memory_space<hbm>>
    %dma_start3A_206 = tpu.memref_squeeze %dma_start3A_205 : memref<1x512xi32, #tpu.memory_space<hbm>> -> memref<512xi32, #tpu.memory_space<hbm>>
    %dma_start3A_207 = arith.constant 10240 : i32
    %dma_start3A_208 = tpu.memref_slice %arg6[%dma_start3A_207] : memref<13312xi32, #tpu.memory_space<vmem>> -> memref<512xi32, #tpu.memory_space<vmem>>
    %dma_start3A_209 = tpu.memref_slice %arg2[%dma_start3A_202, %multiple_of3A_201] : memref<26x16384xi32, #tpu.memory_space<hbm>> -> memref<1x512xi32, #tpu.memory_space<hbm>>
    %dma_start3A_210 = tpu.memref_squeeze %dma_start3A_209 : memref<1x512xi32, #tpu.memory_space<hbm>> -> memref<512xi32, #tpu.memory_space<hbm>>
    tpu.enqueue_dma source(%dma_start3A_210 : memref<512xi32, #tpu.memory_space<hbm>>) target(%dma_start3A_208 : memref<512xi32, #tpu.memory_space<vmem>>) target_semaphore(%arg10 : memref<!tpu.dma_semaphore, #tpu.memory_space<semaphore_mem>>)
    %multiple_of3A_211 = tpu.assume_multiple %mul3A_2, 128 : i32
    %dma_start3A_212 = arith.constant 21 : i32
    %dma_start3A_213 = arith.constant 10752 : i32
    %dma_start3A_214 = tpu.memref_slice %arg6[%dma_start3A_213] : memref<13312xi32, #tpu.memory_space<vmem>> -> memref<512xi32, #tpu.memory_space<vmem>>
    %dma_start3A_215 = tpu.memref_slice %arg2[%dma_start3A_212, %multiple_of3A_211] : memref<26x16384xi32, #tpu.memory_space<hbm>> -> memref<1x512xi32, #tpu.memory_space<hbm>>
    %dma_start3A_216 = tpu.memref_squeeze %dma_start3A_215 : memref<1x512xi32, #tpu.memory_space<hbm>> -> memref<512xi32, #tpu.memory_space<hbm>>
    %dma_start3A_217 = arith.constant 10752 : i32
    %dma_start3A_218 = tpu.memref_slice %arg6[%dma_start3A_217] : memref<13312xi32, #tpu.memory_space<vmem>> -> memref<512xi32, #tpu.memory_space<vmem>>
    %dma_start3A_219 = tpu.memref_slice %arg2[%dma_start3A_212, %multiple_of3A_211] : memref<26x16384xi32, #tpu.memory_space<hbm>> -> memref<1x512xi32, #tpu.memory_space<hbm>>
    %dma_start3A_220 = tpu.memref_squeeze %dma_start3A_219 : memref<1x512xi32, #tpu.memory_space<hbm>> -> memref<512xi32, #tpu.memory_space<hbm>>
    tpu.enqueue_dma source(%dma_start3A_220 : memref<512xi32, #tpu.memory_space<hbm>>) target(%dma_start3A_218 : memref<512xi32, #tpu.memory_space<vmem>>) target_semaphore(%arg10 : memref<!tpu.dma_semaphore, #tpu.memory_space<semaphore_mem>>)
    %multiple_of3A_221 = tpu.assume_multiple %mul3A_2, 128 : i32
    %dma_start3A_222 = arith.constant 22 : i32
    %dma_start3A_223 = arith.constant 11264 : i32
    %dma_start3A_224 = tpu.memref_slice %arg6[%dma_start3A_223] : memref<13312xi32, #tpu.memory_space<vmem>> -> memref<512xi32, #tpu.memory_space<vmem>>
    %dma_start3A_225 = tpu.memref_slice %arg2[%dma_start3A_222, %multiple_of3A_221] : memref<26x16384xi32, #tpu.memory_space<hbm>> -> memref<1x512xi32, #tpu.memory_space<hbm>>
    %dma_start3A_226 = tpu.memref_squeeze %dma_start3A_225 : memref<1x512xi32, #tpu.memory_space<hbm>> -> memref<512xi32, #tpu.memory_space<hbm>>
    %dma_start3A_227 = arith.constant 11264 : i32
    %dma_start3A_228 = tpu.memref_slice %arg6[%dma_start3A_227] : memref<13312xi32, #tpu.memory_space<vmem>> -> memref<512xi32, #tpu.memory_space<vmem>>
    %dma_start3A_229 = tpu.memref_slice %arg2[%dma_start3A_222, %multiple_of3A_221] : memref<26x16384xi32, #tpu.memory_space<hbm>> -> memref<1x512xi32, #tpu.memory_space<hbm>>
    %dma_start3A_230 = tpu.memref_squeeze %dma_start3A_229 : memref<1x512xi32, #tpu.memory_space<hbm>> -> memref<512xi32, #tpu.memory_space<hbm>>
    tpu.enqueue_dma source(%dma_start3A_230 : memref<512xi32, #tpu.memory_space<hbm>>) target(%dma_start3A_228 : memref<512xi32, #tpu.memory_space<vmem>>) target_semaphore(%arg10 : memref<!tpu.dma_semaphore, #tpu.memory_space<semaphore_mem>>)
    %multiple_of3A_231 = tpu.assume_multiple %mul3A_2, 128 : i32
    %dma_start3A_232 = arith.constant 23 : i32
    %dma_start3A_233 = arith.constant 11776 : i32
    %dma_start3A_234 = tpu.memref_slice %arg6[%dma_start3A_233] : memref<13312xi32, #tpu.memory_space<vmem>> -> memref<512xi32, #tpu.memory_space<vmem>>
    %dma_start3A_235 = tpu.memref_slice %arg2[%dma_start3A_232, %multiple_of3A_231] : memref<26x16384xi32, #tpu.memory_space<hbm>> -> memref<1x512xi32, #tpu.memory_space<hbm>>
    %dma_start3A_236 = tpu.memref_squeeze %dma_start3A_235 : memref<1x512xi32, #tpu.memory_space<hbm>> -> memref<512xi32, #tpu.memory_space<hbm>>
    %dma_start3A_237 = arith.constant 11776 : i32
    %dma_start3A_238 = tpu.memref_slice %arg6[%dma_start3A_237] : memref<13312xi32, #tpu.memory_space<vmem>> -> memref<512xi32, #tpu.memory_space<vmem>>
    %dma_start3A_239 = tpu.memref_slice %arg2[%dma_start3A_232, %multiple_of3A_231] : memref<26x16384xi32, #tpu.memory_space<hbm>> -> memref<1x512xi32, #tpu.memory_space<hbm>>
    %dma_start3A_240 = tpu.memref_squeeze %dma_start3A_239 : memref<1x512xi32, #tpu.memory_space<hbm>> -> memref<512xi32, #tpu.memory_space<hbm>>
    tpu.enqueue_dma source(%dma_start3A_240 : memref<512xi32, #tpu.memory_space<hbm>>) target(%dma_start3A_238 : memref<512xi32, #tpu.memory_space<vmem>>) target_semaphore(%arg10 : memref<!tpu.dma_semaphore, #tpu.memory_space<semaphore_mem>>)
    %multiple_of3A_241 = tpu.assume_multiple %mul3A_2, 128 : i32
    %dma_start3A_242 = arith.constant 24 : i32
    %dma_start3A_243 = arith.constant 12288 : i32
    %dma_start3A_244 = tpu.memref_slice %arg6[%dma_start3A_243] : memref<13312xi32, #tpu.memory_space<vmem>> -> memref<512xi32, #tpu.memory_space<vmem>>
    %dma_start3A_245 = tpu.memref_slice %arg2[%dma_start3A_242, %multiple_of3A_241] : memref<26x16384xi32, #tpu.memory_space<hbm>> -> memref<1x512xi32, #tpu.memory_space<hbm>>
    %dma_start3A_246 = tpu.memref_squeeze %dma_start3A_245 : memref<1x512xi32, #tpu.memory_space<hbm>> -> memref<512xi32, #tpu.memory_space<hbm>>
    %dma_start3A_247 = arith.constant 12288 : i32
    %dma_start3A_248 = tpu.memref_slice %arg6[%dma_start3A_247] : memref<13312xi32, #tpu.memory_space<vmem>> -> memref<512xi32, #tpu.memory_space<vmem>>
    %dma_start3A_249 = tpu.memref_slice %arg2[%dma_start3A_242, %multiple_of3A_241] : memref<26x16384xi32, #tpu.memory_space<hbm>> -> memref<1x512xi32, #tpu.memory_space<hbm>>
    %dma_start3A_250 = tpu.memref_squeeze %dma_start3A_249 : memref<1x512xi32, #tpu.memory_space<hbm>> -> memref<512xi32, #tpu.memory_space<hbm>>
    tpu.enqueue_dma source(%dma_start3A_250 : memref<512xi32, #tpu.memory_space<hbm>>) target(%dma_start3A_248 : memref<512xi32, #tpu.memory_space<vmem>>) target_semaphore(%arg10 : memref<!tpu.dma_semaphore, #tpu.memory_space<semaphore_mem>>)
    %multiple_of3A_251 = tpu.assume_multiple %mul3A_2, 128 : i32
    %dma_start3A_252 = arith.constant 25 : i32
    %dma_start3A_253 = arith.constant 12800 : i32
    %dma_start3A_254 = tpu.memref_slice %arg6[%dma_start3A_253] : memref<13312xi32, #tpu.memory_space<vmem>> -> memref<512xi32, #tpu.memory_space<vmem>>
    %dma_start3A_255 = tpu.memref_slice %arg2[%dma_start3A_252, %multiple_of3A_251] : memref<26x16384xi32, #tpu.memory_space<hbm>> -> memref<1x512xi32, #tpu.memory_space<hbm>>
    %dma_start3A_256 = tpu.memref_squeeze %dma_start3A_255 : memref<1x512xi32, #tpu.memory_space<hbm>> -> memref<512xi32, #tpu.memory_space<hbm>>
    %dma_start3A_257 = arith.constant 12800 : i32
    %dma_start3A_258 = tpu.memref_slice %arg6[%dma_start3A_257] : memref<13312xi32, #tpu.memory_space<vmem>> -> memref<512xi32, #tpu.memory_space<vmem>>
    %dma_start3A_259 = tpu.memref_slice %arg2[%dma_start3A_252, %multiple_of3A_251] : memref<26x16384xi32, #tpu.memory_space<hbm>> -> memref<1x512xi32, #tpu.memory_space<hbm>>
    %dma_start3A_260 = tpu.memref_squeeze %dma_start3A_259 : memref<1x512xi32, #tpu.memory_space<hbm>> -> memref<512xi32, #tpu.memory_space<hbm>>
    tpu.enqueue_dma source(%dma_start3A_260 : memref<512xi32, #tpu.memory_space<hbm>>) target(%dma_start3A_258 : memref<512xi32, #tpu.memory_space<vmem>>) target_semaphore(%arg10 : memref<!tpu.dma_semaphore, #tpu.memory_space<semaphore_mem>>)
    %multiple_of3A_261 = tpu.assume_multiple %mul3A_2, 128 : i32
    %dma_wait3A = arith.constant 0 : i32
    %dma_wait3A_262 = arith.constant 0 : i32
    %dma_wait3A_263 = tpu.memref_slice %arg6[%dma_wait3A_262] : memref<13312xi32, #tpu.memory_space<vmem>> -> memref<512xi32, #tpu.memory_space<vmem>>
    %dma_wait3A_264 = tpu.memref_slice %arg2[%dma_wait3A, %multiple_of3A_261] : memref<26x16384xi32, #tpu.memory_space<hbm>> -> memref<1x512xi32, #tpu.memory_space<hbm>>
    %dma_wait3A_265 = tpu.memref_squeeze %dma_wait3A_264 : memref<1x512xi32, #tpu.memory_space<hbm>> -> memref<512xi32, #tpu.memory_space<hbm>>
    %dma_wait3A_266 = arith.constant 0 : i32
    %dma_wait3A_267 = tpu.memref_slice %arg6[%dma_wait3A_266] : memref<13312xi32, #tpu.memory_space<vmem>> -> memref<512xi32, #tpu.memory_space<vmem>>
    %dma_wait3A_268 = tpu.memref_slice %arg2[%dma_wait3A, %multiple_of3A_261] : memref<26x16384xi32, #tpu.memory_space<hbm>> -> memref<1x512xi32, #tpu.memory_space<hbm>>
    %dma_wait3A_269 = tpu.memref_squeeze %dma_wait3A_268 : memref<1x512xi32, #tpu.memory_space<hbm>> -> memref<512xi32, #tpu.memory_space<hbm>>
    tpu.wait_dma2 semaphore(%arg10 : memref<!tpu.dma_semaphore, #tpu.memory_space<semaphore_mem>>) src(%dma_wait3A_269 : memref<512xi32, #tpu.memory_space<hbm>>) dst(%dma_wait3A_267 : memref<512xi32, #tpu.memory_space<vmem>>)
    %dma_start3A_270 = arith.constant 0 : i32
    %dma_start3A_271 = arith.constant 0 : i32
    %dma_start3A_272 = tpu.memref_slice %arg7[%dma_start3A_271] : memref<13312xf32, #tpu.memory_space<vmem>> -> memref<512xf32, #tpu.memory_space<vmem>>
    %dma_start3A_273 = arith.constant 0 : i32
    %dma_start3A_274 = tpu.memref_slice %arg6[%dma_start3A_273] : memref<13312xi32, #tpu.memory_space<vmem>> -> memref<512xi32, #tpu.memory_space<vmem>>
    %dma_start3A_275 = arith.constant 0 : i32
    %dma_start3A_276 = tpu.memref_slice %arg3[%dma_start3A_270, %dma_start3A_275] : memref<1x1000000xf32, #tpu.memory_space<hbm>> -> memref<1x1000000xf32, #tpu.memory_space<hbm>>
    %dma_start3A_277 = tpu.memref_squeeze %dma_start3A_276 : memref<1x1000000xf32, #tpu.memory_space<hbm>> -> memref<1000000xf32, #tpu.memory_space<hbm>>
    %dma_start3A_278 = arith.constant 0 : i32
    %dma_start3A_279 = tpu.memref_slice %dma_start3A_277[%dma_start3A_278] : memref<1000000xf32, #tpu.memory_space<hbm>> -> memref<1000000xf32, #tpu.memory_space<hbm>>
    tpu.enqueue_indirect_dma source(%dma_start3A_279 : memref<1000000xf32, #tpu.memory_space<hbm>>) target(%dma_start3A_272 : memref<512xf32, #tpu.memory_space<vmem>>) offsets(%dma_start3A_274 : memref<512xi32, #tpu.memory_space<vmem>>) semaphore(%arg11 : memref<!tpu.dma_semaphore, #tpu.memory_space<semaphore_mem>>)
    %multiple_of3A_280 = tpu.assume_multiple %mul3A_2, 128 : i32
    %dma_wait3A_281 = arith.constant 1 : i32
    %dma_wait3A_282 = arith.constant 512 : i32
    %dma_wait3A_283 = tpu.memref_slice %arg6[%dma_wait3A_282] : memref<13312xi32, #tpu.memory_space<vmem>> -> memref<512xi32, #tpu.memory_space<vmem>>
    %dma_wait3A_284 = tpu.memref_slice %arg2[%dma_wait3A_281, %multiple_of3A_280] : memref<26x16384xi32, #tpu.memory_space<hbm>> -> memref<1x512xi32, #tpu.memory_space<hbm>>
    %dma_wait3A_285 = tpu.memref_squeeze %dma_wait3A_284 : memref<1x512xi32, #tpu.memory_space<hbm>> -> memref<512xi32, #tpu.memory_space<hbm>>
    %dma_wait3A_286 = arith.constant 512 : i32
    %dma_wait3A_287 = tpu.memref_slice %arg6[%dma_wait3A_286] : memref<13312xi32, #tpu.memory_space<vmem>> -> memref<512xi32, #tpu.memory_space<vmem>>
    %dma_wait3A_288 = tpu.memref_slice %arg2[%dma_wait3A_281, %multiple_of3A_280] : memref<26x16384xi32, #tpu.memory_space<hbm>> -> memref<1x512xi32, #tpu.memory_space<hbm>>
    %dma_wait3A_289 = tpu.memref_squeeze %dma_wait3A_288 : memref<1x512xi32, #tpu.memory_space<hbm>> -> memref<512xi32, #tpu.memory_space<hbm>>
    tpu.wait_dma2 semaphore(%arg10 : memref<!tpu.dma_semaphore, #tpu.memory_space<semaphore_mem>>) src(%dma_wait3A_289 : memref<512xi32, #tpu.memory_space<hbm>>) dst(%dma_wait3A_287 : memref<512xi32, #tpu.memory_space<vmem>>)
    %dma_start3A_290 = arith.constant 0 : i32
    %dma_start3A_291 = arith.constant 512 : i32
    %dma_start3A_292 = tpu.memref_slice %arg7[%dma_start3A_291] : memref<13312xf32, #tpu.memory_space<vmem>> -> memref<512xf32, #tpu.memory_space<vmem>>
    %dma_start3A_293 = arith.constant 512 : i32
    %dma_start3A_294 = tpu.memref_slice %arg6[%dma_start3A_293] : memref<13312xi32, #tpu.memory_space<vmem>> -> memref<512xi32, #tpu.memory_space<vmem>>
    %dma_start3A_295 = arith.constant 0 : i32
    %dma_start3A_296 = tpu.memref_slice %arg3[%dma_start3A_290, %dma_start3A_295] : memref<1x1000000xf32, #tpu.memory_space<hbm>> -> memref<1x1000000xf32, #tpu.memory_space<hbm>>
    %dma_start3A_297 = tpu.memref_squeeze %dma_start3A_296 : memref<1x1000000xf32, #tpu.memory_space<hbm>> -> memref<1000000xf32, #tpu.memory_space<hbm>>
    %dma_start3A_298 = arith.constant 0 : i32
    %dma_start3A_299 = tpu.memref_slice %dma_start3A_297[%dma_start3A_298] : memref<1000000xf32, #tpu.memory_space<hbm>> -> memref<1000000xf32, #tpu.memory_space<hbm>>
    tpu.enqueue_indirect_dma source(%dma_start3A_299 : memref<1000000xf32, #tpu.memory_space<hbm>>) target(%dma_start3A_292 : memref<512xf32, #tpu.memory_space<vmem>>) offsets(%dma_start3A_294 : memref<512xi32, #tpu.memory_space<vmem>>) semaphore(%arg11 : memref<!tpu.dma_semaphore, #tpu.memory_space<semaphore_mem>>)
    %multiple_of3A_300 = tpu.assume_multiple %mul3A_2, 128 : i32
    %dma_wait3A_301 = arith.constant 2 : i32
    %dma_wait3A_302 = arith.constant 1024 : i32
    %dma_wait3A_303 = tpu.memref_slice %arg6[%dma_wait3A_302] : memref<13312xi32, #tpu.memory_space<vmem>> -> memref<512xi32, #tpu.memory_space<vmem>>
    %dma_wait3A_304 = tpu.memref_slice %arg2[%dma_wait3A_301, %multiple_of3A_300] : memref<26x16384xi32, #tpu.memory_space<hbm>> -> memref<1x512xi32, #tpu.memory_space<hbm>>
    %dma_wait3A_305 = tpu.memref_squeeze %dma_wait3A_304 : memref<1x512xi32, #tpu.memory_space<hbm>> -> memref<512xi32, #tpu.memory_space<hbm>>
    %dma_wait3A_306 = arith.constant 1024 : i32
    %dma_wait3A_307 = tpu.memref_slice %arg6[%dma_wait3A_306] : memref<13312xi32, #tpu.memory_space<vmem>> -> memref<512xi32, #tpu.memory_space<vmem>>
    %dma_wait3A_308 = tpu.memref_slice %arg2[%dma_wait3A_301, %multiple_of3A_300] : memref<26x16384xi32, #tpu.memory_space<hbm>> -> memref<1x512xi32, #tpu.memory_space<hbm>>
    %dma_wait3A_309 = tpu.memref_squeeze %dma_wait3A_308 : memref<1x512xi32, #tpu.memory_space<hbm>> -> memref<512xi32, #tpu.memory_space<hbm>>
    tpu.wait_dma2 semaphore(%arg10 : memref<!tpu.dma_semaphore, #tpu.memory_space<semaphore_mem>>) src(%dma_wait3A_309 : memref<512xi32, #tpu.memory_space<hbm>>) dst(%dma_wait3A_307 : memref<512xi32, #tpu.memory_space<vmem>>)
    %dma_start3A_310 = arith.constant 0 : i32
    %dma_start3A_311 = arith.constant 1024 : i32
    %dma_start3A_312 = tpu.memref_slice %arg7[%dma_start3A_311] : memref<13312xf32, #tpu.memory_space<vmem>> -> memref<512xf32, #tpu.memory_space<vmem>>
    %dma_start3A_313 = arith.constant 1024 : i32
    %dma_start3A_314 = tpu.memref_slice %arg6[%dma_start3A_313] : memref<13312xi32, #tpu.memory_space<vmem>> -> memref<512xi32, #tpu.memory_space<vmem>>
    %dma_start3A_315 = arith.constant 0 : i32
    %dma_start3A_316 = tpu.memref_slice %arg3[%dma_start3A_310, %dma_start3A_315] : memref<1x1000000xf32, #tpu.memory_space<hbm>> -> memref<1x1000000xf32, #tpu.memory_space<hbm>>
    %dma_start3A_317 = tpu.memref_squeeze %dma_start3A_316 : memref<1x1000000xf32, #tpu.memory_space<hbm>> -> memref<1000000xf32, #tpu.memory_space<hbm>>
    %dma_start3A_318 = arith.constant 0 : i32
    %dma_start3A_319 = tpu.memref_slice %dma_start3A_317[%dma_start3A_318] : memref<1000000xf32, #tpu.memory_space<hbm>> -> memref<1000000xf32, #tpu.memory_space<hbm>>
    tpu.enqueue_indirect_dma source(%dma_start3A_319 : memref<1000000xf32, #tpu.memory_space<hbm>>) target(%dma_start3A_312 : memref<512xf32, #tpu.memory_space<vmem>>) offsets(%dma_start3A_314 : memref<512xi32, #tpu.memory_space<vmem>>) semaphore(%arg11 : memref<!tpu.dma_semaphore, #tpu.memory_space<semaphore_mem>>)
    %multiple_of3A_320 = tpu.assume_multiple %mul3A_2, 128 : i32
    %dma_wait3A_321 = arith.constant 3 : i32
    %dma_wait3A_322 = arith.constant 1536 : i32
    %dma_wait3A_323 = tpu.memref_slice %arg6[%dma_wait3A_322] : memref<13312xi32, #tpu.memory_space<vmem>> -> memref<512xi32, #tpu.memory_space<vmem>>
    %dma_wait3A_324 = tpu.memref_slice %arg2[%dma_wait3A_321, %multiple_of3A_320] : memref<26x16384xi32, #tpu.memory_space<hbm>> -> memref<1x512xi32, #tpu.memory_space<hbm>>
    %dma_wait3A_325 = tpu.memref_squeeze %dma_wait3A_324 : memref<1x512xi32, #tpu.memory_space<hbm>> -> memref<512xi32, #tpu.memory_space<hbm>>
    %dma_wait3A_326 = arith.constant 1536 : i32
    %dma_wait3A_327 = tpu.memref_slice %arg6[%dma_wait3A_326] : memref<13312xi32, #tpu.memory_space<vmem>> -> memref<512xi32, #tpu.memory_space<vmem>>
    %dma_wait3A_328 = tpu.memref_slice %arg2[%dma_wait3A_321, %multiple_of3A_320] : memref<26x16384xi32, #tpu.memory_space<hbm>> -> memref<1x512xi32, #tpu.memory_space<hbm>>
    %dma_wait3A_329 = tpu.memref_squeeze %dma_wait3A_328 : memref<1x512xi32, #tpu.memory_space<hbm>> -> memref<512xi32, #tpu.memory_space<hbm>>
    tpu.wait_dma2 semaphore(%arg10 : memref<!tpu.dma_semaphore, #tpu.memory_space<semaphore_mem>>) src(%dma_wait3A_329 : memref<512xi32, #tpu.memory_space<hbm>>) dst(%dma_wait3A_327 : memref<512xi32, #tpu.memory_space<vmem>>)
    %dma_start3A_330 = arith.constant 0 : i32
    %dma_start3A_331 = arith.constant 1536 : i32
    %dma_start3A_332 = tpu.memref_slice %arg7[%dma_start3A_331] : memref<13312xf32, #tpu.memory_space<vmem>> -> memref<512xf32, #tpu.memory_space<vmem>>
    %dma_start3A_333 = arith.constant 1536 : i32
    %dma_start3A_334 = tpu.memref_slice %arg6[%dma_start3A_333] : memref<13312xi32, #tpu.memory_space<vmem>> -> memref<512xi32, #tpu.memory_space<vmem>>
    %dma_start3A_335 = arith.constant 0 : i32
    %dma_start3A_336 = tpu.memref_slice %arg3[%dma_start3A_330, %dma_start3A_335] : memref<1x1000000xf32, #tpu.memory_space<hbm>> -> memref<1x1000000xf32, #tpu.memory_space<hbm>>
    %dma_start3A_337 = tpu.memref_squeeze %dma_start3A_336 : memref<1x1000000xf32, #tpu.memory_space<hbm>> -> memref<1000000xf32, #tpu.memory_space<hbm>>
    %dma_start3A_338 = arith.constant 0 : i32
    %dma_start3A_339 = tpu.memref_slice %dma_start3A_337[%dma_start3A_338] : memref<1000000xf32, #tpu.memory_space<hbm>> -> memref<1000000xf32, #tpu.memory_space<hbm>>
    tpu.enqueue_indirect_dma source(%dma_start3A_339 : memref<1000000xf32, #tpu.memory_space<hbm>>) target(%dma_start3A_332 : memref<512xf32, #tpu.memory_space<vmem>>) offsets(%dma_start3A_334 : memref<512xi32, #tpu.memory_space<vmem>>) semaphore(%arg11 : memref<!tpu.dma_semaphore, #tpu.memory_space<semaphore_mem>>)
    %multiple_of3A_340 = tpu.assume_multiple %mul3A_2, 128 : i32
    %dma_wait3A_341 = arith.constant 4 : i32
    %dma_wait3A_342 = arith.constant 2048 : i32
    %dma_wait3A_343 = tpu.memref_slice %arg6[%dma_wait3A_342] : memref<13312xi32, #tpu.memory_space<vmem>> -> memref<512xi32, #tpu.memory_space<vmem>>
    %dma_wait3A_344 = tpu.memref_slice %arg2[%dma_wait3A_341, %multiple_of3A_340] : memref<26x16384xi32, #tpu.memory_space<hbm>> -> memref<1x512xi32, #tpu.memory_space<hbm>>
    %dma_wait3A_345 = tpu.memref_squeeze %dma_wait3A_344 : memref<1x512xi32, #tpu.memory_space<hbm>> -> memref<512xi32, #tpu.memory_space<hbm>>
    %dma_wait3A_346 = arith.constant 2048 : i32
    %dma_wait3A_347 = tpu.memref_slice %arg6[%dma_wait3A_346] : memref<13312xi32, #tpu.memory_space<vmem>> -> memref<512xi32, #tpu.memory_space<vmem>>
    %dma_wait3A_348 = tpu.memref_slice %arg2[%dma_wait3A_341, %multiple_of3A_340] : memref<26x16384xi32, #tpu.memory_space<hbm>> -> memref<1x512xi32, #tpu.memory_space<hbm>>
    %dma_wait3A_349 = tpu.memref_squeeze %dma_wait3A_348 : memref<1x512xi32, #tpu.memory_space<hbm>> -> memref<512xi32, #tpu.memory_space<hbm>>
    tpu.wait_dma2 semaphore(%arg10 : memref<!tpu.dma_semaphore, #tpu.memory_space<semaphore_mem>>) src(%dma_wait3A_349 : memref<512xi32, #tpu.memory_space<hbm>>) dst(%dma_wait3A_347 : memref<512xi32, #tpu.memory_space<vmem>>)
    %dma_start3A_350 = arith.constant 0 : i32
    %dma_start3A_351 = arith.constant 2048 : i32
    %dma_start3A_352 = tpu.memref_slice %arg7[%dma_start3A_351] : memref<13312xf32, #tpu.memory_space<vmem>> -> memref<512xf32, #tpu.memory_space<vmem>>
    %dma_start3A_353 = arith.constant 2048 : i32
    %dma_start3A_354 = tpu.memref_slice %arg6[%dma_start3A_353] : memref<13312xi32, #tpu.memory_space<vmem>> -> memref<512xi32, #tpu.memory_space<vmem>>
    %dma_start3A_355 = arith.constant 0 : i32
    %dma_start3A_356 = tpu.memref_slice %arg3[%dma_start3A_350, %dma_start3A_355] : memref<1x1000000xf32, #tpu.memory_space<hbm>> -> memref<1x1000000xf32, #tpu.memory_space<hbm>>
    %dma_start3A_357 = tpu.memref_squeeze %dma_start3A_356 : memref<1x1000000xf32, #tpu.memory_space<hbm>> -> memref<1000000xf32, #tpu.memory_space<hbm>>
    %dma_start3A_358 = arith.constant 0 : i32
    %dma_start3A_359 = tpu.memref_slice %dma_start3A_357[%dma_start3A_358] : memref<1000000xf32, #tpu.memory_space<hbm>> -> memref<1000000xf32, #tpu.memory_space<hbm>>
    tpu.enqueue_indirect_dma source(%dma_start3A_359 : memref<1000000xf32, #tpu.memory_space<hbm>>) target(%dma_start3A_352 : memref<512xf32, #tpu.memory_space<vmem>>) offsets(%dma_start3A_354 : memref<512xi32, #tpu.memory_space<vmem>>) semaphore(%arg11 : memref<!tpu.dma_semaphore, #tpu.memory_space<semaphore_mem>>)
    %multiple_of3A_360 = tpu.assume_multiple %mul3A_2, 128 : i32
    %dma_wait3A_361 = arith.constant 5 : i32
    %dma_wait3A_362 = arith.constant 2560 : i32
    %dma_wait3A_363 = tpu.memref_slice %arg6[%dma_wait3A_362] : memref<13312xi32, #tpu.memory_space<vmem>> -> memref<512xi32, #tpu.memory_space<vmem>>
    %dma_wait3A_364 = tpu.memref_slice %arg2[%dma_wait3A_361, %multiple_of3A_360] : memref<26x16384xi32, #tpu.memory_space<hbm>> -> memref<1x512xi32, #tpu.memory_space<hbm>>
    %dma_wait3A_365 = tpu.memref_squeeze %dma_wait3A_364 : memref<1x512xi32, #tpu.memory_space<hbm>> -> memref<512xi32, #tpu.memory_space<hbm>>
    %dma_wait3A_366 = arith.constant 2560 : i32
    %dma_wait3A_367 = tpu.memref_slice %arg6[%dma_wait3A_366] : memref<13312xi32, #tpu.memory_space<vmem>> -> memref<512xi32, #tpu.memory_space<vmem>>
    %dma_wait3A_368 = tpu.memref_slice %arg2[%dma_wait3A_361, %multiple_of3A_360] : memref<26x16384xi32, #tpu.memory_space<hbm>> -> memref<1x512xi32, #tpu.memory_space<hbm>>
    %dma_wait3A_369 = tpu.memref_squeeze %dma_wait3A_368 : memref<1x512xi32, #tpu.memory_space<hbm>> -> memref<512xi32, #tpu.memory_space<hbm>>
    tpu.wait_dma2 semaphore(%arg10 : memref<!tpu.dma_semaphore, #tpu.memory_space<semaphore_mem>>) src(%dma_wait3A_369 : memref<512xi32, #tpu.memory_space<hbm>>) dst(%dma_wait3A_367 : memref<512xi32, #tpu.memory_space<vmem>>)
    %dma_start3A_370 = arith.constant 0 : i32
    %dma_start3A_371 = arith.constant 2560 : i32
    %dma_start3A_372 = tpu.memref_slice %arg7[%dma_start3A_371] : memref<13312xf32, #tpu.memory_space<vmem>> -> memref<512xf32, #tpu.memory_space<vmem>>
    %dma_start3A_373 = arith.constant 2560 : i32
    %dma_start3A_374 = tpu.memref_slice %arg6[%dma_start3A_373] : memref<13312xi32, #tpu.memory_space<vmem>> -> memref<512xi32, #tpu.memory_space<vmem>>
    %dma_start3A_375 = arith.constant 0 : i32
    %dma_start3A_376 = tpu.memref_slice %arg3[%dma_start3A_370, %dma_start3A_375] : memref<1x1000000xf32, #tpu.memory_space<hbm>> -> memref<1x1000000xf32, #tpu.memory_space<hbm>>
    %dma_start3A_377 = tpu.memref_squeeze %dma_start3A_376 : memref<1x1000000xf32, #tpu.memory_space<hbm>> -> memref<1000000xf32, #tpu.memory_space<hbm>>
    %dma_start3A_378 = arith.constant 0 : i32
    %dma_start3A_379 = tpu.memref_slice %dma_start3A_377[%dma_start3A_378] : memref<1000000xf32, #tpu.memory_space<hbm>> -> memref<1000000xf32, #tpu.memory_space<hbm>>
    tpu.enqueue_indirect_dma source(%dma_start3A_379 : memref<1000000xf32, #tpu.memory_space<hbm>>) target(%dma_start3A_372 : memref<512xf32, #tpu.memory_space<vmem>>) offsets(%dma_start3A_374 : memref<512xi32, #tpu.memory_space<vmem>>) semaphore(%arg11 : memref<!tpu.dma_semaphore, #tpu.memory_space<semaphore_mem>>)
    %multiple_of3A_380 = tpu.assume_multiple %mul3A_2, 128 : i32
    %dma_wait3A_381 = arith.constant 6 : i32
    %dma_wait3A_382 = arith.constant 3072 : i32
    %dma_wait3A_383 = tpu.memref_slice %arg6[%dma_wait3A_382] : memref<13312xi32, #tpu.memory_space<vmem>> -> memref<512xi32, #tpu.memory_space<vmem>>
    %dma_wait3A_384 = tpu.memref_slice %arg2[%dma_wait3A_381, %multiple_of3A_380] : memref<26x16384xi32, #tpu.memory_space<hbm>> -> memref<1x512xi32, #tpu.memory_space<hbm>>
    %dma_wait3A_385 = tpu.memref_squeeze %dma_wait3A_384 : memref<1x512xi32, #tpu.memory_space<hbm>> -> memref<512xi32, #tpu.memory_space<hbm>>
    %dma_wait3A_386 = arith.constant 3072 : i32
    %dma_wait3A_387 = tpu.memref_slice %arg6[%dma_wait3A_386] : memref<13312xi32, #tpu.memory_space<vmem>> -> memref<512xi32, #tpu.memory_space<vmem>>
    %dma_wait3A_388 = tpu.memref_slice %arg2[%dma_wait3A_381, %multiple_of3A_380] : memref<26x16384xi32, #tpu.memory_space<hbm>> -> memref<1x512xi32, #tpu.memory_space<hbm>>
    %dma_wait3A_389 = tpu.memref_squeeze %dma_wait3A_388 : memref<1x512xi32, #tpu.memory_space<hbm>> -> memref<512xi32, #tpu.memory_space<hbm>>
    tpu.wait_dma2 semaphore(%arg10 : memref<!tpu.dma_semaphore, #tpu.memory_space<semaphore_mem>>) src(%dma_wait3A_389 : memref<512xi32, #tpu.memory_space<hbm>>) dst(%dma_wait3A_387 : memref<512xi32, #tpu.memory_space<vmem>>)
    %dma_start3A_390 = arith.constant 0 : i32
    %dma_start3A_391 = arith.constant 3072 : i32
    %dma_start3A_392 = tpu.memref_slice %arg7[%dma_start3A_391] : memref<13312xf32, #tpu.memory_space<vmem>> -> memref<512xf32, #tpu.memory_space<vmem>>
    %dma_start3A_393 = arith.constant 3072 : i32
    %dma_start3A_394 = tpu.memref_slice %arg6[%dma_start3A_393] : memref<13312xi32, #tpu.memory_space<vmem>> -> memref<512xi32, #tpu.memory_space<vmem>>
    %dma_start3A_395 = arith.constant 0 : i32
    %dma_start3A_396 = tpu.memref_slice %arg3[%dma_start3A_390, %dma_start3A_395] : memref<1x1000000xf32, #tpu.memory_space<hbm>> -> memref<1x1000000xf32, #tpu.memory_space<hbm>>
    %dma_start3A_397 = tpu.memref_squeeze %dma_start3A_396 : memref<1x1000000xf32, #tpu.memory_space<hbm>> -> memref<1000000xf32, #tpu.memory_space<hbm>>
    %dma_start3A_398 = arith.constant 0 : i32
    %dma_start3A_399 = tpu.memref_slice %dma_start3A_397[%dma_start3A_398] : memref<1000000xf32, #tpu.memory_space<hbm>> -> memref<1000000xf32, #tpu.memory_space<hbm>>
    tpu.enqueue_indirect_dma source(%dma_start3A_399 : memref<1000000xf32, #tpu.memory_space<hbm>>) target(%dma_start3A_392 : memref<512xf32, #tpu.memory_space<vmem>>) offsets(%dma_start3A_394 : memref<512xi32, #tpu.memory_space<vmem>>) semaphore(%arg11 : memref<!tpu.dma_semaphore, #tpu.memory_space<semaphore_mem>>)
    %multiple_of3A_400 = tpu.assume_multiple %mul3A_2, 128 : i32
    %dma_wait3A_401 = arith.constant 7 : i32
    %dma_wait3A_402 = arith.constant 3584 : i32
    %dma_wait3A_403 = tpu.memref_slice %arg6[%dma_wait3A_402] : memref<13312xi32, #tpu.memory_space<vmem>> -> memref<512xi32, #tpu.memory_space<vmem>>
    %dma_wait3A_404 = tpu.memref_slice %arg2[%dma_wait3A_401, %multiple_of3A_400] : memref<26x16384xi32, #tpu.memory_space<hbm>> -> memref<1x512xi32, #tpu.memory_space<hbm>>
    %dma_wait3A_405 = tpu.memref_squeeze %dma_wait3A_404 : memref<1x512xi32, #tpu.memory_space<hbm>> -> memref<512xi32, #tpu.memory_space<hbm>>
    %dma_wait3A_406 = arith.constant 3584 : i32
    %dma_wait3A_407 = tpu.memref_slice %arg6[%dma_wait3A_406] : memref<13312xi32, #tpu.memory_space<vmem>> -> memref<512xi32, #tpu.memory_space<vmem>>
    %dma_wait3A_408 = tpu.memref_slice %arg2[%dma_wait3A_401, %multiple_of3A_400] : memref<26x16384xi32, #tpu.memory_space<hbm>> -> memref<1x512xi32, #tpu.memory_space<hbm>>
    %dma_wait3A_409 = tpu.memref_squeeze %dma_wait3A_408 : memref<1x512xi32, #tpu.memory_space<hbm>> -> memref<512xi32, #tpu.memory_space<hbm>>
    tpu.wait_dma2 semaphore(%arg10 : memref<!tpu.dma_semaphore, #tpu.memory_space<semaphore_mem>>) src(%dma_wait3A_409 : memref<512xi32, #tpu.memory_space<hbm>>) dst(%dma_wait3A_407 : memref<512xi32, #tpu.memory_space<vmem>>)
    %dma_start3A_410 = arith.constant 0 : i32
    %dma_start3A_411 = arith.constant 3584 : i32
    %dma_start3A_412 = tpu.memref_slice %arg7[%dma_start3A_411] : memref<13312xf32, #tpu.memory_space<vmem>> -> memref<512xf32, #tpu.memory_space<vmem>>
    %dma_start3A_413 = arith.constant 3584 : i32
    %dma_start3A_414 = tpu.memref_slice %arg6[%dma_start3A_413] : memref<13312xi32, #tpu.memory_space<vmem>> -> memref<512xi32, #tpu.memory_space<vmem>>
    %dma_start3A_415 = arith.constant 0 : i32
    %dma_start3A_416 = tpu.memref_slice %arg3[%dma_start3A_410, %dma_start3A_415] : memref<1x1000000xf32, #tpu.memory_space<hbm>> -> memref<1x1000000xf32, #tpu.memory_space<hbm>>
    %dma_start3A_417 = tpu.memref_squeeze %dma_start3A_416 : memref<1x1000000xf32, #tpu.memory_space<hbm>> -> memref<1000000xf32, #tpu.memory_space<hbm>>
    %dma_start3A_418 = arith.constant 0 : i32
    %dma_start3A_419 = tpu.memref_slice %dma_start3A_417[%dma_start3A_418] : memref<1000000xf32, #tpu.memory_space<hbm>> -> memref<1000000xf32, #tpu.memory_space<hbm>>
    tpu.enqueue_indirect_dma source(%dma_start3A_419 : memref<1000000xf32, #tpu.memory_space<hbm>>) target(%dma_start3A_412 : memref<512xf32, #tpu.memory_space<vmem>>) offsets(%dma_start3A_414 : memref<512xi32, #tpu.memory_space<vmem>>) semaphore(%arg11 : memref<!tpu.dma_semaphore, #tpu.memory_space<semaphore_mem>>)
    %multiple_of3A_420 = tpu.assume_multiple %mul3A_2, 128 : i32
    %dma_wait3A_421 = arith.constant 8 : i32
    %dma_wait3A_422 = arith.constant 4096 : i32
    %dma_wait3A_423 = tpu.memref_slice %arg6[%dma_wait3A_422] : memref<13312xi32, #tpu.memory_space<vmem>> -> memref<512xi32, #tpu.memory_space<vmem>>
    %dma_wait3A_424 = tpu.memref_slice %arg2[%dma_wait3A_421, %multiple_of3A_420] : memref<26x16384xi32, #tpu.memory_space<hbm>> -> memref<1x512xi32, #tpu.memory_space<hbm>>
    %dma_wait3A_425 = tpu.memref_squeeze %dma_wait3A_424 : memref<1x512xi32, #tpu.memory_space<hbm>> -> memref<512xi32, #tpu.memory_space<hbm>>
    %dma_wait3A_426 = arith.constant 4096 : i32
    %dma_wait3A_427 = tpu.memref_slice %arg6[%dma_wait3A_426] : memref<13312xi32, #tpu.memory_space<vmem>> -> memref<512xi32, #tpu.memory_space<vmem>>
    %dma_wait3A_428 = tpu.memref_slice %arg2[%dma_wait3A_421, %multiple_of3A_420] : memref<26x16384xi32, #tpu.memory_space<hbm>> -> memref<1x512xi32, #tpu.memory_space<hbm>>
    %dma_wait3A_429 = tpu.memref_squeeze %dma_wait3A_428 : memref<1x512xi32, #tpu.memory_space<hbm>> -> memref<512xi32, #tpu.memory_space<hbm>>
    tpu.wait_dma2 semaphore(%arg10 : memref<!tpu.dma_semaphore, #tpu.memory_space<semaphore_mem>>) src(%dma_wait3A_429 : memref<512xi32, #tpu.memory_space<hbm>>) dst(%dma_wait3A_427 : memref<512xi32, #tpu.memory_space<vmem>>)
    %dma_start3A_430 = arith.constant 0 : i32
    %dma_start3A_431 = arith.constant 4096 : i32
    %dma_start3A_432 = tpu.memref_slice %arg7[%dma_start3A_431] : memref<13312xf32, #tpu.memory_space<vmem>> -> memref<512xf32, #tpu.memory_space<vmem>>
    %dma_start3A_433 = arith.constant 4096 : i32
    %dma_start3A_434 = tpu.memref_slice %arg6[%dma_start3A_433] : memref<13312xi32, #tpu.memory_space<vmem>> -> memref<512xi32, #tpu.memory_space<vmem>>
    %dma_start3A_435 = arith.constant 0 : i32
    %dma_start3A_436 = tpu.memref_slice %arg3[%dma_start3A_430, %dma_start3A_435] : memref<1x1000000xf32, #tpu.memory_space<hbm>> -> memref<1x1000000xf32, #tpu.memory_space<hbm>>
    %dma_start3A_437 = tpu.memref_squeeze %dma_start3A_436 : memref<1x1000000xf32, #tpu.memory_space<hbm>> -> memref<1000000xf32, #tpu.memory_space<hbm>>
    %dma_start3A_438 = arith.constant 0 : i32
    %dma_start3A_439 = tpu.memref_slice %dma_start3A_437[%dma_start3A_438] : memref<1000000xf32, #tpu.memory_space<hbm>> -> memref<1000000xf32, #tpu.memory_space<hbm>>
    tpu.enqueue_indirect_dma source(%dma_start3A_439 : memref<1000000xf32, #tpu.memory_space<hbm>>) target(%dma_start3A_432 : memref<512xf32, #tpu.memory_space<vmem>>) offsets(%dma_start3A_434 : memref<512xi32, #tpu.memory_space<vmem>>) semaphore(%arg11 : memref<!tpu.dma_semaphore, #tpu.memory_space<semaphore_mem>>)
    %multiple_of3A_440 = tpu.assume_multiple %mul3A_2, 128 : i32
    %dma_wait3A_441 = arith.constant 9 : i32
    %dma_wait3A_442 = arith.constant 4608 : i32
    %dma_wait3A_443 = tpu.memref_slice %arg6[%dma_wait3A_442] : memref<13312xi32, #tpu.memory_space<vmem>> -> memref<512xi32, #tpu.memory_space<vmem>>
    %dma_wait3A_444 = tpu.memref_slice %arg2[%dma_wait3A_441, %multiple_of3A_440] : memref<26x16384xi32, #tpu.memory_space<hbm>> -> memref<1x512xi32, #tpu.memory_space<hbm>>
    %dma_wait3A_445 = tpu.memref_squeeze %dma_wait3A_444 : memref<1x512xi32, #tpu.memory_space<hbm>> -> memref<512xi32, #tpu.memory_space<hbm>>
    %dma_wait3A_446 = arith.constant 4608 : i32
    %dma_wait3A_447 = tpu.memref_slice %arg6[%dma_wait3A_446] : memref<13312xi32, #tpu.memory_space<vmem>> -> memref<512xi32, #tpu.memory_space<vmem>>
    %dma_wait3A_448 = tpu.memref_slice %arg2[%dma_wait3A_441, %multiple_of3A_440] : memref<26x16384xi32, #tpu.memory_space<hbm>> -> memref<1x512xi32, #tpu.memory_space<hbm>>
    %dma_wait3A_449 = tpu.memref_squeeze %dma_wait3A_448 : memref<1x512xi32, #tpu.memory_space<hbm>> -> memref<512xi32, #tpu.memory_space<hbm>>
    tpu.wait_dma2 semaphore(%arg10 : memref<!tpu.dma_semaphore, #tpu.memory_space<semaphore_mem>>) src(%dma_wait3A_449 : memref<512xi32, #tpu.memory_space<hbm>>) dst(%dma_wait3A_447 : memref<512xi32, #tpu.memory_space<vmem>>)
    %dma_start3A_450 = arith.constant 0 : i32
    %dma_start3A_451 = arith.constant 4608 : i32
    %dma_start3A_452 = tpu.memref_slice %arg7[%dma_start3A_451] : memref<13312xf32, #tpu.memory_space<vmem>> -> memref<512xf32, #tpu.memory_space<vmem>>
    %dma_start3A_453 = arith.constant 4608 : i32
    %dma_start3A_454 = tpu.memref_slice %arg6[%dma_start3A_453] : memref<13312xi32, #tpu.memory_space<vmem>> -> memref<512xi32, #tpu.memory_space<vmem>>
    %dma_start3A_455 = arith.constant 0 : i32
    %dma_start3A_456 = tpu.memref_slice %arg3[%dma_start3A_450, %dma_start3A_455] : memref<1x1000000xf32, #tpu.memory_space<hbm>> -> memref<1x1000000xf32, #tpu.memory_space<hbm>>
    %dma_start3A_457 = tpu.memref_squeeze %dma_start3A_456 : memref<1x1000000xf32, #tpu.memory_space<hbm>> -> memref<1000000xf32, #tpu.memory_space<hbm>>
    %dma_start3A_458 = arith.constant 0 : i32
    %dma_start3A_459 = tpu.memref_slice %dma_start3A_457[%dma_start3A_458] : memref<1000000xf32, #tpu.memory_space<hbm>> -> memref<1000000xf32, #tpu.memory_space<hbm>>
    tpu.enqueue_indirect_dma source(%dma_start3A_459 : memref<1000000xf32, #tpu.memory_space<hbm>>) target(%dma_start3A_452 : memref<512xf32, #tpu.memory_space<vmem>>) offsets(%dma_start3A_454 : memref<512xi32, #tpu.memory_space<vmem>>) semaphore(%arg11 : memref<!tpu.dma_semaphore, #tpu.memory_space<semaphore_mem>>)
    %multiple_of3A_460 = tpu.assume_multiple %mul3A_2, 128 : i32
    %dma_wait3A_461 = arith.constant 10 : i32
    %dma_wait3A_462 = arith.constant 5120 : i32
    %dma_wait3A_463 = tpu.memref_slice %arg6[%dma_wait3A_462] : memref<13312xi32, #tpu.memory_space<vmem>> -> memref<512xi32, #tpu.memory_space<vmem>>
    %dma_wait3A_464 = tpu.memref_slice %arg2[%dma_wait3A_461, %multiple_of3A_460] : memref<26x16384xi32, #tpu.memory_space<hbm>> -> memref<1x512xi32, #tpu.memory_space<hbm>>
    %dma_wait3A_465 = tpu.memref_squeeze %dma_wait3A_464 : memref<1x512xi32, #tpu.memory_space<hbm>> -> memref<512xi32, #tpu.memory_space<hbm>>
    %dma_wait3A_466 = arith.constant 5120 : i32
    %dma_wait3A_467 = tpu.memref_slice %arg6[%dma_wait3A_466] : memref<13312xi32, #tpu.memory_space<vmem>> -> memref<512xi32, #tpu.memory_space<vmem>>
    %dma_wait3A_468 = tpu.memref_slice %arg2[%dma_wait3A_461, %multiple_of3A_460] : memref<26x16384xi32, #tpu.memory_space<hbm>> -> memref<1x512xi32, #tpu.memory_space<hbm>>
    %dma_wait3A_469 = tpu.memref_squeeze %dma_wait3A_468 : memref<1x512xi32, #tpu.memory_space<hbm>> -> memref<512xi32, #tpu.memory_space<hbm>>
    tpu.wait_dma2 semaphore(%arg10 : memref<!tpu.dma_semaphore, #tpu.memory_space<semaphore_mem>>) src(%dma_wait3A_469 : memref<512xi32, #tpu.memory_space<hbm>>) dst(%dma_wait3A_467 : memref<512xi32, #tpu.memory_space<vmem>>)
    %dma_start3A_470 = arith.constant 0 : i32
    %dma_start3A_471 = arith.constant 5120 : i32
    %dma_start3A_472 = tpu.memref_slice %arg7[%dma_start3A_471] : memref<13312xf32, #tpu.memory_space<vmem>> -> memref<512xf32, #tpu.memory_space<vmem>>
    %dma_start3A_473 = arith.constant 5120 : i32
    %dma_start3A_474 = tpu.memref_slice %arg6[%dma_start3A_473] : memref<13312xi32, #tpu.memory_space<vmem>> -> memref<512xi32, #tpu.memory_space<vmem>>
    %dma_start3A_475 = arith.constant 0 : i32
    %dma_start3A_476 = tpu.memref_slice %arg3[%dma_start3A_470, %dma_start3A_475] : memref<1x1000000xf32, #tpu.memory_space<hbm>> -> memref<1x1000000xf32, #tpu.memory_space<hbm>>
    %dma_start3A_477 = tpu.memref_squeeze %dma_start3A_476 : memref<1x1000000xf32, #tpu.memory_space<hbm>> -> memref<1000000xf32, #tpu.memory_space<hbm>>
    %dma_start3A_478 = arith.constant 0 : i32
    %dma_start3A_479 = tpu.memref_slice %dma_start3A_477[%dma_start3A_478] : memref<1000000xf32, #tpu.memory_space<hbm>> -> memref<1000000xf32, #tpu.memory_space<hbm>>
    tpu.enqueue_indirect_dma source(%dma_start3A_479 : memref<1000000xf32, #tpu.memory_space<hbm>>) target(%dma_start3A_472 : memref<512xf32, #tpu.memory_space<vmem>>) offsets(%dma_start3A_474 : memref<512xi32, #tpu.memory_space<vmem>>) semaphore(%arg11 : memref<!tpu.dma_semaphore, #tpu.memory_space<semaphore_mem>>)
    %multiple_of3A_480 = tpu.assume_multiple %mul3A_2, 128 : i32
    %dma_wait3A_481 = arith.constant 11 : i32
    %dma_wait3A_482 = arith.constant 5632 : i32
    %dma_wait3A_483 = tpu.memref_slice %arg6[%dma_wait3A_482] : memref<13312xi32, #tpu.memory_space<vmem>> -> memref<512xi32, #tpu.memory_space<vmem>>
    %dma_wait3A_484 = tpu.memref_slice %arg2[%dma_wait3A_481, %multiple_of3A_480] : memref<26x16384xi32, #tpu.memory_space<hbm>> -> memref<1x512xi32, #tpu.memory_space<hbm>>
    %dma_wait3A_485 = tpu.memref_squeeze %dma_wait3A_484 : memref<1x512xi32, #tpu.memory_space<hbm>> -> memref<512xi32, #tpu.memory_space<hbm>>
    %dma_wait3A_486 = arith.constant 5632 : i32
    %dma_wait3A_487 = tpu.memref_slice %arg6[%dma_wait3A_486] : memref<13312xi32, #tpu.memory_space<vmem>> -> memref<512xi32, #tpu.memory_space<vmem>>
    %dma_wait3A_488 = tpu.memref_slice %arg2[%dma_wait3A_481, %multiple_of3A_480] : memref<26x16384xi32, #tpu.memory_space<hbm>> -> memref<1x512xi32, #tpu.memory_space<hbm>>
    %dma_wait3A_489 = tpu.memref_squeeze %dma_wait3A_488 : memref<1x512xi32, #tpu.memory_space<hbm>> -> memref<512xi32, #tpu.memory_space<hbm>>
    tpu.wait_dma2 semaphore(%arg10 : memref<!tpu.dma_semaphore, #tpu.memory_space<semaphore_mem>>) src(%dma_wait3A_489 : memref<512xi32, #tpu.memory_space<hbm>>) dst(%dma_wait3A_487 : memref<512xi32, #tpu.memory_space<vmem>>)
    %dma_start3A_490 = arith.constant 0 : i32
    %dma_start3A_491 = arith.constant 5632 : i32
    %dma_start3A_492 = tpu.memref_slice %arg7[%dma_start3A_491] : memref<13312xf32, #tpu.memory_space<vmem>> -> memref<512xf32, #tpu.memory_space<vmem>>
    %dma_start3A_493 = arith.constant 5632 : i32
    %dma_start3A_494 = tpu.memref_slice %arg6[%dma_start3A_493] : memref<13312xi32, #tpu.memory_space<vmem>> -> memref<512xi32, #tpu.memory_space<vmem>>
    %dma_start3A_495 = arith.constant 0 : i32
    %dma_start3A_496 = tpu.memref_slice %arg3[%dma_start3A_490, %dma_start3A_495] : memref<1x1000000xf32, #tpu.memory_space<hbm>> -> memref<1x1000000xf32, #tpu.memory_space<hbm>>
    %dma_start3A_497 = tpu.memref_squeeze %dma_start3A_496 : memref<1x1000000xf32, #tpu.memory_space<hbm>> -> memref<1000000xf32, #tpu.memory_space<hbm>>
    %dma_start3A_498 = arith.constant 0 : i32
    %dma_start3A_499 = tpu.memref_slice %dma_start3A_497[%dma_start3A_498] : memref<1000000xf32, #tpu.memory_space<hbm>> -> memref<1000000xf32, #tpu.memory_space<hbm>>
    tpu.enqueue_indirect_dma source(%dma_start3A_499 : memref<1000000xf32, #tpu.memory_space<hbm>>) target(%dma_start3A_492 : memref<512xf32, #tpu.memory_space<vmem>>) offsets(%dma_start3A_494 : memref<512xi32, #tpu.memory_space<vmem>>) semaphore(%arg11 : memref<!tpu.dma_semaphore, #tpu.memory_space<semaphore_mem>>)
    %multiple_of3A_500 = tpu.assume_multiple %mul3A_2, 128 : i32
    %dma_wait3A_501 = arith.constant 12 : i32
    %dma_wait3A_502 = arith.constant 6144 : i32
    %dma_wait3A_503 = tpu.memref_slice %arg6[%dma_wait3A_502] : memref<13312xi32, #tpu.memory_space<vmem>> -> memref<512xi32, #tpu.memory_space<vmem>>
    %dma_wait3A_504 = tpu.memref_slice %arg2[%dma_wait3A_501, %multiple_of3A_500] : memref<26x16384xi32, #tpu.memory_space<hbm>> -> memref<1x512xi32, #tpu.memory_space<hbm>>
    %dma_wait3A_505 = tpu.memref_squeeze %dma_wait3A_504 : memref<1x512xi32, #tpu.memory_space<hbm>> -> memref<512xi32, #tpu.memory_space<hbm>>
    %dma_wait3A_506 = arith.constant 6144 : i32
    %dma_wait3A_507 = tpu.memref_slice %arg6[%dma_wait3A_506] : memref<13312xi32, #tpu.memory_space<vmem>> -> memref<512xi32, #tpu.memory_space<vmem>>
    %dma_wait3A_508 = tpu.memref_slice %arg2[%dma_wait3A_501, %multiple_of3A_500] : memref<26x16384xi32, #tpu.memory_space<hbm>> -> memref<1x512xi32, #tpu.memory_space<hbm>>
    %dma_wait3A_509 = tpu.memref_squeeze %dma_wait3A_508 : memref<1x512xi32, #tpu.memory_space<hbm>> -> memref<512xi32, #tpu.memory_space<hbm>>
    tpu.wait_dma2 semaphore(%arg10 : memref<!tpu.dma_semaphore, #tpu.memory_space<semaphore_mem>>) src(%dma_wait3A_509 : memref<512xi32, #tpu.memory_space<hbm>>) dst(%dma_wait3A_507 : memref<512xi32, #tpu.memory_space<vmem>>)
    %dma_start3A_510 = arith.constant 0 : i32
    %dma_start3A_511 = arith.constant 6144 : i32
    %dma_start3A_512 = tpu.memref_slice %arg7[%dma_start3A_511] : memref<13312xf32, #tpu.memory_space<vmem>> -> memref<512xf32, #tpu.memory_space<vmem>>
    %dma_start3A_513 = arith.constant 6144 : i32
    %dma_start3A_514 = tpu.memref_slice %arg6[%dma_start3A_513] : memref<13312xi32, #tpu.memory_space<vmem>> -> memref<512xi32, #tpu.memory_space<vmem>>
    %dma_start3A_515 = arith.constant 0 : i32
    %dma_start3A_516 = tpu.memref_slice %arg3[%dma_start3A_510, %dma_start3A_515] : memref<1x1000000xf32, #tpu.memory_space<hbm>> -> memref<1x1000000xf32, #tpu.memory_space<hbm>>
    %dma_start3A_517 = tpu.memref_squeeze %dma_start3A_516 : memref<1x1000000xf32, #tpu.memory_space<hbm>> -> memref<1000000xf32, #tpu.memory_space<hbm>>
    %dma_start3A_518 = arith.constant 0 : i32
    %dma_start3A_519 = tpu.memref_slice %dma_start3A_517[%dma_start3A_518] : memref<1000000xf32, #tpu.memory_space<hbm>> -> memref<1000000xf32, #tpu.memory_space<hbm>>
    tpu.enqueue_indirect_dma source(%dma_start3A_519 : memref<1000000xf32, #tpu.memory_space<hbm>>) target(%dma_start3A_512 : memref<512xf32, #tpu.memory_space<vmem>>) offsets(%dma_start3A_514 : memref<512xi32, #tpu.memory_space<vmem>>) semaphore(%arg11 : memref<!tpu.dma_semaphore, #tpu.memory_space<semaphore_mem>>)
    %multiple_of3A_520 = tpu.assume_multiple %mul3A_2, 128 : i32
    %dma_wait3A_521 = arith.constant 13 : i32
    %dma_wait3A_522 = arith.constant 6656 : i32
    %dma_wait3A_523 = tpu.memref_slice %arg6[%dma_wait3A_522] : memref<13312xi32, #tpu.memory_space<vmem>> -> memref<512xi32, #tpu.memory_space<vmem>>
    %dma_wait3A_524 = tpu.memref_slice %arg2[%dma_wait3A_521, %multiple_of3A_520] : memref<26x16384xi32, #tpu.memory_space<hbm>> -> memref<1x512xi32, #tpu.memory_space<hbm>>
    %dma_wait3A_525 = tpu.memref_squeeze %dma_wait3A_524 : memref<1x512xi32, #tpu.memory_space<hbm>> -> memref<512xi32, #tpu.memory_space<hbm>>
    %dma_wait3A_526 = arith.constant 6656 : i32
    %dma_wait3A_527 = tpu.memref_slice %arg6[%dma_wait3A_526] : memref<13312xi32, #tpu.memory_space<vmem>> -> memref<512xi32, #tpu.memory_space<vmem>>
    %dma_wait3A_528 = tpu.memref_slice %arg2[%dma_wait3A_521, %multiple_of3A_520] : memref<26x16384xi32, #tpu.memory_space<hbm>> -> memref<1x512xi32, #tpu.memory_space<hbm>>
    %dma_wait3A_529 = tpu.memref_squeeze %dma_wait3A_528 : memref<1x512xi32, #tpu.memory_space<hbm>> -> memref<512xi32, #tpu.memory_space<hbm>>
    tpu.wait_dma2 semaphore(%arg10 : memref<!tpu.dma_semaphore, #tpu.memory_space<semaphore_mem>>) src(%dma_wait3A_529 : memref<512xi32, #tpu.memory_space<hbm>>) dst(%dma_wait3A_527 : memref<512xi32, #tpu.memory_space<vmem>>)
    %dma_start3A_530 = arith.constant 0 : i32
    %dma_start3A_531 = arith.constant 6656 : i32
    %dma_start3A_532 = tpu.memref_slice %arg7[%dma_start3A_531] : memref<13312xf32, #tpu.memory_space<vmem>> -> memref<512xf32, #tpu.memory_space<vmem>>
    %dma_start3A_533 = arith.constant 6656 : i32
    %dma_start3A_534 = tpu.memref_slice %arg6[%dma_start3A_533] : memref<13312xi32, #tpu.memory_space<vmem>> -> memref<512xi32, #tpu.memory_space<vmem>>
    %dma_start3A_535 = arith.constant 0 : i32
    %dma_start3A_536 = tpu.memref_slice %arg3[%dma_start3A_530, %dma_start3A_535] : memref<1x1000000xf32, #tpu.memory_space<hbm>> -> memref<1x1000000xf32, #tpu.memory_space<hbm>>
    %dma_start3A_537 = tpu.memref_squeeze %dma_start3A_536 : memref<1x1000000xf32, #tpu.memory_space<hbm>> -> memref<1000000xf32, #tpu.memory_space<hbm>>
    %dma_start3A_538 = arith.constant 0 : i32
    %dma_start3A_539 = tpu.memref_slice %dma_start3A_537[%dma_start3A_538] : memref<1000000xf32, #tpu.memory_space<hbm>> -> memref<1000000xf32, #tpu.memory_space<hbm>>
    tpu.enqueue_indirect_dma source(%dma_start3A_539 : memref<1000000xf32, #tpu.memory_space<hbm>>) target(%dma_start3A_532 : memref<512xf32, #tpu.memory_space<vmem>>) offsets(%dma_start3A_534 : memref<512xi32, #tpu.memory_space<vmem>>) semaphore(%arg11 : memref<!tpu.dma_semaphore, #tpu.memory_space<semaphore_mem>>)
    %multiple_of3A_540 = tpu.assume_multiple %mul3A_2, 128 : i32
    %dma_wait3A_541 = arith.constant 14 : i32
    %dma_wait3A_542 = arith.constant 7168 : i32
    %dma_wait3A_543 = tpu.memref_slice %arg6[%dma_wait3A_542] : memref<13312xi32, #tpu.memory_space<vmem>> -> memref<512xi32, #tpu.memory_space<vmem>>
    %dma_wait3A_544 = tpu.memref_slice %arg2[%dma_wait3A_541, %multiple_of3A_540] : memref<26x16384xi32, #tpu.memory_space<hbm>> -> memref<1x512xi32, #tpu.memory_space<hbm>>
    %dma_wait3A_545 = tpu.memref_squeeze %dma_wait3A_544 : memref<1x512xi32, #tpu.memory_space<hbm>> -> memref<512xi32, #tpu.memory_space<hbm>>
    %dma_wait3A_546 = arith.constant 7168 : i32
    %dma_wait3A_547 = tpu.memref_slice %arg6[%dma_wait3A_546] : memref<13312xi32, #tpu.memory_space<vmem>> -> memref<512xi32, #tpu.memory_space<vmem>>
    %dma_wait3A_548 = tpu.memref_slice %arg2[%dma_wait3A_541, %multiple_of3A_540] : memref<26x16384xi32, #tpu.memory_space<hbm>> -> memref<1x512xi32, #tpu.memory_space<hbm>>
    %dma_wait3A_549 = tpu.memref_squeeze %dma_wait3A_548 : memref<1x512xi32, #tpu.memory_space<hbm>> -> memref<512xi32, #tpu.memory_space<hbm>>
    tpu.wait_dma2 semaphore(%arg10 : memref<!tpu.dma_semaphore, #tpu.memory_space<semaphore_mem>>) src(%dma_wait3A_549 : memref<512xi32, #tpu.memory_space<hbm>>) dst(%dma_wait3A_547 : memref<512xi32, #tpu.memory_space<vmem>>)
    %dma_start3A_550 = arith.constant 0 : i32
    %dma_start3A_551 = arith.constant 7168 : i32
    %dma_start3A_552 = tpu.memref_slice %arg7[%dma_start3A_551] : memref<13312xf32, #tpu.memory_space<vmem>> -> memref<512xf32, #tpu.memory_space<vmem>>
    %dma_start3A_553 = arith.constant 7168 : i32
    %dma_start3A_554 = tpu.memref_slice %arg6[%dma_start3A_553] : memref<13312xi32, #tpu.memory_space<vmem>> -> memref<512xi32, #tpu.memory_space<vmem>>
    %dma_start3A_555 = arith.constant 0 : i32
    %dma_start3A_556 = tpu.memref_slice %arg3[%dma_start3A_550, %dma_start3A_555] : memref<1x1000000xf32, #tpu.memory_space<hbm>> -> memref<1x1000000xf32, #tpu.memory_space<hbm>>
    %dma_start3A_557 = tpu.memref_squeeze %dma_start3A_556 : memref<1x1000000xf32, #tpu.memory_space<hbm>> -> memref<1000000xf32, #tpu.memory_space<hbm>>
    %dma_start3A_558 = arith.constant 0 : i32
    %dma_start3A_559 = tpu.memref_slice %dma_start3A_557[%dma_start3A_558] : memref<1000000xf32, #tpu.memory_space<hbm>> -> memref<1000000xf32, #tpu.memory_space<hbm>>
    tpu.enqueue_indirect_dma source(%dma_start3A_559 : memref<1000000xf32, #tpu.memory_space<hbm>>) target(%dma_start3A_552 : memref<512xf32, #tpu.memory_space<vmem>>) offsets(%dma_start3A_554 : memref<512xi32, #tpu.memory_space<vmem>>) semaphore(%arg11 : memref<!tpu.dma_semaphore, #tpu.memory_space<semaphore_mem>>)
    %multiple_of3A_560 = tpu.assume_multiple %mul3A_2, 128 : i32
    %dma_wait3A_561 = arith.constant 15 : i32
    %dma_wait3A_562 = arith.constant 7680 : i32
    %dma_wait3A_563 = tpu.memref_slice %arg6[%dma_wait3A_562] : memref<13312xi32, #tpu.memory_space<vmem>> -> memref<512xi32, #tpu.memory_space<vmem>>
    %dma_wait3A_564 = tpu.memref_slice %arg2[%dma_wait3A_561, %multiple_of3A_560] : memref<26x16384xi32, #tpu.memory_space<hbm>> -> memref<1x512xi32, #tpu.memory_space<hbm>>
    %dma_wait3A_565 = tpu.memref_squeeze %dma_wait3A_564 : memref<1x512xi32, #tpu.memory_space<hbm>> -> memref<512xi32, #tpu.memory_space<hbm>>
    %dma_wait3A_566 = arith.constant 7680 : i32
    %dma_wait3A_567 = tpu.memref_slice %arg6[%dma_wait3A_566] : memref<13312xi32, #tpu.memory_space<vmem>> -> memref<512xi32, #tpu.memory_space<vmem>>
    %dma_wait3A_568 = tpu.memref_slice %arg2[%dma_wait3A_561, %multiple_of3A_560] : memref<26x16384xi32, #tpu.memory_space<hbm>> -> memref<1x512xi32, #tpu.memory_space<hbm>>
    %dma_wait3A_569 = tpu.memref_squeeze %dma_wait3A_568 : memref<1x512xi32, #tpu.memory_space<hbm>> -> memref<512xi32, #tpu.memory_space<hbm>>
    tpu.wait_dma2 semaphore(%arg10 : memref<!tpu.dma_semaphore, #tpu.memory_space<semaphore_mem>>) src(%dma_wait3A_569 : memref<512xi32, #tpu.memory_space<hbm>>) dst(%dma_wait3A_567 : memref<512xi32, #tpu.memory_space<vmem>>)
    %dma_start3A_570 = arith.constant 0 : i32
    %dma_start3A_571 = arith.constant 7680 : i32
    %dma_start3A_572 = tpu.memref_slice %arg7[%dma_start3A_571] : memref<13312xf32, #tpu.memory_space<vmem>> -> memref<512xf32, #tpu.memory_space<vmem>>
    %dma_start3A_573 = arith.constant 7680 : i32
    %dma_start3A_574 = tpu.memref_slice %arg6[%dma_start3A_573] : memref<13312xi32, #tpu.memory_space<vmem>> -> memref<512xi32, #tpu.memory_space<vmem>>
    %dma_start3A_575 = arith.constant 0 : i32
    %dma_start3A_576 = tpu.memref_slice %arg3[%dma_start3A_570, %dma_start3A_575] : memref<1x1000000xf32, #tpu.memory_space<hbm>> -> memref<1x1000000xf32, #tpu.memory_space<hbm>>
    %dma_start3A_577 = tpu.memref_squeeze %dma_start3A_576 : memref<1x1000000xf32, #tpu.memory_space<hbm>> -> memref<1000000xf32, #tpu.memory_space<hbm>>
    %dma_start3A_578 = arith.constant 0 : i32
    %dma_start3A_579 = tpu.memref_slice %dma_start3A_577[%dma_start3A_578] : memref<1000000xf32, #tpu.memory_space<hbm>> -> memref<1000000xf32, #tpu.memory_space<hbm>>
    tpu.enqueue_indirect_dma source(%dma_start3A_579 : memref<1000000xf32, #tpu.memory_space<hbm>>) target(%dma_start3A_572 : memref<512xf32, #tpu.memory_space<vmem>>) offsets(%dma_start3A_574 : memref<512xi32, #tpu.memory_space<vmem>>) semaphore(%arg11 : memref<!tpu.dma_semaphore, #tpu.memory_space<semaphore_mem>>)
    %multiple_of3A_580 = tpu.assume_multiple %mul3A_2, 128 : i32
    %dma_wait3A_581 = arith.constant 16 : i32
    %dma_wait3A_582 = arith.constant 8192 : i32
    %dma_wait3A_583 = tpu.memref_slice %arg6[%dma_wait3A_582] : memref<13312xi32, #tpu.memory_space<vmem>> -> memref<512xi32, #tpu.memory_space<vmem>>
    %dma_wait3A_584 = tpu.memref_slice %arg2[%dma_wait3A_581, %multiple_of3A_580] : memref<26x16384xi32, #tpu.memory_space<hbm>> -> memref<1x512xi32, #tpu.memory_space<hbm>>
    %dma_wait3A_585 = tpu.memref_squeeze %dma_wait3A_584 : memref<1x512xi32, #tpu.memory_space<hbm>> -> memref<512xi32, #tpu.memory_space<hbm>>
    %dma_wait3A_586 = arith.constant 8192 : i32
    %dma_wait3A_587 = tpu.memref_slice %arg6[%dma_wait3A_586] : memref<13312xi32, #tpu.memory_space<vmem>> -> memref<512xi32, #tpu.memory_space<vmem>>
    %dma_wait3A_588 = tpu.memref_slice %arg2[%dma_wait3A_581, %multiple_of3A_580] : memref<26x16384xi32, #tpu.memory_space<hbm>> -> memref<1x512xi32, #tpu.memory_space<hbm>>
    %dma_wait3A_589 = tpu.memref_squeeze %dma_wait3A_588 : memref<1x512xi32, #tpu.memory_space<hbm>> -> memref<512xi32, #tpu.memory_space<hbm>>
    tpu.wait_dma2 semaphore(%arg10 : memref<!tpu.dma_semaphore, #tpu.memory_space<semaphore_mem>>) src(%dma_wait3A_589 : memref<512xi32, #tpu.memory_space<hbm>>) dst(%dma_wait3A_587 : memref<512xi32, #tpu.memory_space<vmem>>)
    %dma_start3A_590 = arith.constant 0 : i32
    %dma_start3A_591 = arith.constant 8192 : i32
    %dma_start3A_592 = tpu.memref_slice %arg7[%dma_start3A_591] : memref<13312xf32, #tpu.memory_space<vmem>> -> memref<512xf32, #tpu.memory_space<vmem>>
    %dma_start3A_593 = arith.constant 8192 : i32
    %dma_start3A_594 = tpu.memref_slice %arg6[%dma_start3A_593] : memref<13312xi32, #tpu.memory_space<vmem>> -> memref<512xi32, #tpu.memory_space<vmem>>
    %dma_start3A_595 = arith.constant 0 : i32
    %dma_start3A_596 = tpu.memref_slice %arg3[%dma_start3A_590, %dma_start3A_595] : memref<1x1000000xf32, #tpu.memory_space<hbm>> -> memref<1x1000000xf32, #tpu.memory_space<hbm>>
    %dma_start3A_597 = tpu.memref_squeeze %dma_start3A_596 : memref<1x1000000xf32, #tpu.memory_space<hbm>> -> memref<1000000xf32, #tpu.memory_space<hbm>>
    %dma_start3A_598 = arith.constant 0 : i32
    %dma_start3A_599 = tpu.memref_slice %dma_start3A_597[%dma_start3A_598] : memref<1000000xf32, #tpu.memory_space<hbm>> -> memref<1000000xf32, #tpu.memory_space<hbm>>
    tpu.enqueue_indirect_dma source(%dma_start3A_599 : memref<1000000xf32, #tpu.memory_space<hbm>>) target(%dma_start3A_592 : memref<512xf32, #tpu.memory_space<vmem>>) offsets(%dma_start3A_594 : memref<512xi32, #tpu.memory_space<vmem>>) semaphore(%arg11 : memref<!tpu.dma_semaphore, #tpu.memory_space<semaphore_mem>>)
    %multiple_of3A_600 = tpu.assume_multiple %mul3A_2, 128 : i32
    %dma_wait3A_601 = arith.constant 17 : i32
    %dma_wait3A_602 = arith.constant 8704 : i32
    %dma_wait3A_603 = tpu.memref_slice %arg6[%dma_wait3A_602] : memref<13312xi32, #tpu.memory_space<vmem>> -> memref<512xi32, #tpu.memory_space<vmem>>
    %dma_wait3A_604 = tpu.memref_slice %arg2[%dma_wait3A_601, %multiple_of3A_600] : memref<26x16384xi32, #tpu.memory_space<hbm>> -> memref<1x512xi32, #tpu.memory_space<hbm>>
    %dma_wait3A_605 = tpu.memref_squeeze %dma_wait3A_604 : memref<1x512xi32, #tpu.memory_space<hbm>> -> memref<512xi32, #tpu.memory_space<hbm>>
    %dma_wait3A_606 = arith.constant 8704 : i32
    %dma_wait3A_607 = tpu.memref_slice %arg6[%dma_wait3A_606] : memref<13312xi32, #tpu.memory_space<vmem>> -> memref<512xi32, #tpu.memory_space<vmem>>
    %dma_wait3A_608 = tpu.memref_slice %arg2[%dma_wait3A_601, %multiple_of3A_600] : memref<26x16384xi32, #tpu.memory_space<hbm>> -> memref<1x512xi32, #tpu.memory_space<hbm>>
    %dma_wait3A_609 = tpu.memref_squeeze %dma_wait3A_608 : memref<1x512xi32, #tpu.memory_space<hbm>> -> memref<512xi32, #tpu.memory_space<hbm>>
    tpu.wait_dma2 semaphore(%arg10 : memref<!tpu.dma_semaphore, #tpu.memory_space<semaphore_mem>>) src(%dma_wait3A_609 : memref<512xi32, #tpu.memory_space<hbm>>) dst(%dma_wait3A_607 : memref<512xi32, #tpu.memory_space<vmem>>)
    %dma_start3A_610 = arith.constant 0 : i32
    %dma_start3A_611 = arith.constant 8704 : i32
    %dma_start3A_612 = tpu.memref_slice %arg7[%dma_start3A_611] : memref<13312xf32, #tpu.memory_space<vmem>> -> memref<512xf32, #tpu.memory_space<vmem>>
    %dma_start3A_613 = arith.constant 8704 : i32
    %dma_start3A_614 = tpu.memref_slice %arg6[%dma_start3A_613] : memref<13312xi32, #tpu.memory_space<vmem>> -> memref<512xi32, #tpu.memory_space<vmem>>
    %dma_start3A_615 = arith.constant 0 : i32
    %dma_start3A_616 = tpu.memref_slice %arg3[%dma_start3A_610, %dma_start3A_615] : memref<1x1000000xf32, #tpu.memory_space<hbm>> -> memref<1x1000000xf32, #tpu.memory_space<hbm>>
    %dma_start3A_617 = tpu.memref_squeeze %dma_start3A_616 : memref<1x1000000xf32, #tpu.memory_space<hbm>> -> memref<1000000xf32, #tpu.memory_space<hbm>>
    %dma_start3A_618 = arith.constant 0 : i32
    %dma_start3A_619 = tpu.memref_slice %dma_start3A_617[%dma_start3A_618] : memref<1000000xf32, #tpu.memory_space<hbm>> -> memref<1000000xf32, #tpu.memory_space<hbm>>
    tpu.enqueue_indirect_dma source(%dma_start3A_619 : memref<1000000xf32, #tpu.memory_space<hbm>>) target(%dma_start3A_612 : memref<512xf32, #tpu.memory_space<vmem>>) offsets(%dma_start3A_614 : memref<512xi32, #tpu.memory_space<vmem>>) semaphore(%arg11 : memref<!tpu.dma_semaphore, #tpu.memory_space<semaphore_mem>>)
    %multiple_of3A_620 = tpu.assume_multiple %mul3A_2, 128 : i32
    %dma_wait3A_621 = arith.constant 18 : i32
    %dma_wait3A_622 = arith.constant 9216 : i32
    %dma_wait3A_623 = tpu.memref_slice %arg6[%dma_wait3A_622] : memref<13312xi32, #tpu.memory_space<vmem>> -> memref<512xi32, #tpu.memory_space<vmem>>
    %dma_wait3A_624 = tpu.memref_slice %arg2[%dma_wait3A_621, %multiple_of3A_620] : memref<26x16384xi32, #tpu.memory_space<hbm>> -> memref<1x512xi32, #tpu.memory_space<hbm>>
    %dma_wait3A_625 = tpu.memref_squeeze %dma_wait3A_624 : memref<1x512xi32, #tpu.memory_space<hbm>> -> memref<512xi32, #tpu.memory_space<hbm>>
    %dma_wait3A_626 = arith.constant 9216 : i32
    %dma_wait3A_627 = tpu.memref_slice %arg6[%dma_wait3A_626] : memref<13312xi32, #tpu.memory_space<vmem>> -> memref<512xi32, #tpu.memory_space<vmem>>
    %dma_wait3A_628 = tpu.memref_slice %arg2[%dma_wait3A_621, %multiple_of3A_620] : memref<26x16384xi32, #tpu.memory_space<hbm>> -> memref<1x512xi32, #tpu.memory_space<hbm>>
    %dma_wait3A_629 = tpu.memref_squeeze %dma_wait3A_628 : memref<1x512xi32, #tpu.memory_space<hbm>> -> memref<512xi32, #tpu.memory_space<hbm>>
    tpu.wait_dma2 semaphore(%arg10 : memref<!tpu.dma_semaphore, #tpu.memory_space<semaphore_mem>>) src(%dma_wait3A_629 : memref<512xi32, #tpu.memory_space<hbm>>) dst(%dma_wait3A_627 : memref<512xi32, #tpu.memory_space<vmem>>)
    %dma_start3A_630 = arith.constant 0 : i32
    %dma_start3A_631 = arith.constant 9216 : i32
    %dma_start3A_632 = tpu.memref_slice %arg7[%dma_start3A_631] : memref<13312xf32, #tpu.memory_space<vmem>> -> memref<512xf32, #tpu.memory_space<vmem>>
    %dma_start3A_633 = arith.constant 9216 : i32
    %dma_start3A_634 = tpu.memref_slice %arg6[%dma_start3A_633] : memref<13312xi32, #tpu.memory_space<vmem>> -> memref<512xi32, #tpu.memory_space<vmem>>
    %dma_start3A_635 = arith.constant 0 : i32
    %dma_start3A_636 = tpu.memref_slice %arg3[%dma_start3A_630, %dma_start3A_635] : memref<1x1000000xf32, #tpu.memory_space<hbm>> -> memref<1x1000000xf32, #tpu.memory_space<hbm>>
    %dma_start3A_637 = tpu.memref_squeeze %dma_start3A_636 : memref<1x1000000xf32, #tpu.memory_space<hbm>> -> memref<1000000xf32, #tpu.memory_space<hbm>>
    %dma_start3A_638 = arith.constant 0 : i32
    %dma_start3A_639 = tpu.memref_slice %dma_start3A_637[%dma_start3A_638] : memref<1000000xf32, #tpu.memory_space<hbm>> -> memref<1000000xf32, #tpu.memory_space<hbm>>
    tpu.enqueue_indirect_dma source(%dma_start3A_639 : memref<1000000xf32, #tpu.memory_space<hbm>>) target(%dma_start3A_632 : memref<512xf32, #tpu.memory_space<vmem>>) offsets(%dma_start3A_634 : memref<512xi32, #tpu.memory_space<vmem>>) semaphore(%arg11 : memref<!tpu.dma_semaphore, #tpu.memory_space<semaphore_mem>>)
    %multiple_of3A_640 = tpu.assume_multiple %mul3A_2, 128 : i32
    %dma_wait3A_641 = arith.constant 19 : i32
    %dma_wait3A_642 = arith.constant 9728 : i32
    %dma_wait3A_643 = tpu.memref_slice %arg6[%dma_wait3A_642] : memref<13312xi32, #tpu.memory_space<vmem>> -> memref<512xi32, #tpu.memory_space<vmem>>
    %dma_wait3A_644 = tpu.memref_slice %arg2[%dma_wait3A_641, %multiple_of3A_640] : memref<26x16384xi32, #tpu.memory_space<hbm>> -> memref<1x512xi32, #tpu.memory_space<hbm>>
    %dma_wait3A_645 = tpu.memref_squeeze %dma_wait3A_644 : memref<1x512xi32, #tpu.memory_space<hbm>> -> memref<512xi32, #tpu.memory_space<hbm>>
    %dma_wait3A_646 = arith.constant 9728 : i32
    %dma_wait3A_647 = tpu.memref_slice %arg6[%dma_wait3A_646] : memref<13312xi32, #tpu.memory_space<vmem>> -> memref<512xi32, #tpu.memory_space<vmem>>
    %dma_wait3A_648 = tpu.memref_slice %arg2[%dma_wait3A_641, %multiple_of3A_640] : memref<26x16384xi32, #tpu.memory_space<hbm>> -> memref<1x512xi32, #tpu.memory_space<hbm>>
    %dma_wait3A_649 = tpu.memref_squeeze %dma_wait3A_648 : memref<1x512xi32, #tpu.memory_space<hbm>> -> memref<512xi32, #tpu.memory_space<hbm>>
    tpu.wait_dma2 semaphore(%arg10 : memref<!tpu.dma_semaphore, #tpu.memory_space<semaphore_mem>>) src(%dma_wait3A_649 : memref<512xi32, #tpu.memory_space<hbm>>) dst(%dma_wait3A_647 : memref<512xi32, #tpu.memory_space<vmem>>)
    %dma_start3A_650 = arith.constant 0 : i32
    %dma_start3A_651 = arith.constant 9728 : i32
    %dma_start3A_652 = tpu.memref_slice %arg7[%dma_start3A_651] : memref<13312xf32, #tpu.memory_space<vmem>> -> memref<512xf32, #tpu.memory_space<vmem>>
    %dma_start3A_653 = arith.constant 9728 : i32
    %dma_start3A_654 = tpu.memref_slice %arg6[%dma_start3A_653] : memref<13312xi32, #tpu.memory_space<vmem>> -> memref<512xi32, #tpu.memory_space<vmem>>
    %dma_start3A_655 = arith.constant 0 : i32
    %dma_start3A_656 = tpu.memref_slice %arg3[%dma_start3A_650, %dma_start3A_655] : memref<1x1000000xf32, #tpu.memory_space<hbm>> -> memref<1x1000000xf32, #tpu.memory_space<hbm>>
    %dma_start3A_657 = tpu.memref_squeeze %dma_start3A_656 : memref<1x1000000xf32, #tpu.memory_space<hbm>> -> memref<1000000xf32, #tpu.memory_space<hbm>>
    %dma_start3A_658 = arith.constant 0 : i32
    %dma_start3A_659 = tpu.memref_slice %dma_start3A_657[%dma_start3A_658] : memref<1000000xf32, #tpu.memory_space<hbm>> -> memref<1000000xf32, #tpu.memory_space<hbm>>
    tpu.enqueue_indirect_dma source(%dma_start3A_659 : memref<1000000xf32, #tpu.memory_space<hbm>>) target(%dma_start3A_652 : memref<512xf32, #tpu.memory_space<vmem>>) offsets(%dma_start3A_654 : memref<512xi32, #tpu.memory_space<vmem>>) semaphore(%arg11 : memref<!tpu.dma_semaphore, #tpu.memory_space<semaphore_mem>>)
    %multiple_of3A_660 = tpu.assume_multiple %mul3A_2, 128 : i32
    %dma_wait3A_661 = arith.constant 20 : i32
    %dma_wait3A_662 = arith.constant 10240 : i32
    %dma_wait3A_663 = tpu.memref_slice %arg6[%dma_wait3A_662] : memref<13312xi32, #tpu.memory_space<vmem>> -> memref<512xi32, #tpu.memory_space<vmem>>
    %dma_wait3A_664 = tpu.memref_slice %arg2[%dma_wait3A_661, %multiple_of3A_660] : memref<26x16384xi32, #tpu.memory_space<hbm>> -> memref<1x512xi32, #tpu.memory_space<hbm>>
    %dma_wait3A_665 = tpu.memref_squeeze %dma_wait3A_664 : memref<1x512xi32, #tpu.memory_space<hbm>> -> memref<512xi32, #tpu.memory_space<hbm>>
    %dma_wait3A_666 = arith.constant 10240 : i32
    %dma_wait3A_667 = tpu.memref_slice %arg6[%dma_wait3A_666] : memref<13312xi32, #tpu.memory_space<vmem>> -> memref<512xi32, #tpu.memory_space<vmem>>
    %dma_wait3A_668 = tpu.memref_slice %arg2[%dma_wait3A_661, %multiple_of3A_660] : memref<26x16384xi32, #tpu.memory_space<hbm>> -> memref<1x512xi32, #tpu.memory_space<hbm>>
    %dma_wait3A_669 = tpu.memref_squeeze %dma_wait3A_668 : memref<1x512xi32, #tpu.memory_space<hbm>> -> memref<512xi32, #tpu.memory_space<hbm>>
    tpu.wait_dma2 semaphore(%arg10 : memref<!tpu.dma_semaphore, #tpu.memory_space<semaphore_mem>>) src(%dma_wait3A_669 : memref<512xi32, #tpu.memory_space<hbm>>) dst(%dma_wait3A_667 : memref<512xi32, #tpu.memory_space<vmem>>)
    %dma_start3A_670 = arith.constant 0 : i32
    %dma_start3A_671 = arith.constant 10240 : i32
    %dma_start3A_672 = tpu.memref_slice %arg7[%dma_start3A_671] : memref<13312xf32, #tpu.memory_space<vmem>> -> memref<512xf32, #tpu.memory_space<vmem>>
    %dma_start3A_673 = arith.constant 10240 : i32
    %dma_start3A_674 = tpu.memref_slice %arg6[%dma_start3A_673] : memref<13312xi32, #tpu.memory_space<vmem>> -> memref<512xi32, #tpu.memory_space<vmem>>
    %dma_start3A_675 = arith.constant 0 : i32
    %dma_start3A_676 = tpu.memref_slice %arg3[%dma_start3A_670, %dma_start3A_675] : memref<1x1000000xf32, #tpu.memory_space<hbm>> -> memref<1x1000000xf32, #tpu.memory_space<hbm>>
    %dma_start3A_677 = tpu.memref_squeeze %dma_start3A_676 : memref<1x1000000xf32, #tpu.memory_space<hbm>> -> memref<1000000xf32, #tpu.memory_space<hbm>>
    %dma_start3A_678 = arith.constant 0 : i32
    %dma_start3A_679 = tpu.memref_slice %dma_start3A_677[%dma_start3A_678] : memref<1000000xf32, #tpu.memory_space<hbm>> -> memref<1000000xf32, #tpu.memory_space<hbm>>
    tpu.enqueue_indirect_dma source(%dma_start3A_679 : memref<1000000xf32, #tpu.memory_space<hbm>>) target(%dma_start3A_672 : memref<512xf32, #tpu.memory_space<vmem>>) offsets(%dma_start3A_674 : memref<512xi32, #tpu.memory_space<vmem>>) semaphore(%arg11 : memref<!tpu.dma_semaphore, #tpu.memory_space<semaphore_mem>>)
    %multiple_of3A_680 = tpu.assume_multiple %mul3A_2, 128 : i32
    %dma_wait3A_681 = arith.constant 21 : i32
    %dma_wait3A_682 = arith.constant 10752 : i32
    %dma_wait3A_683 = tpu.memref_slice %arg6[%dma_wait3A_682] : memref<13312xi32, #tpu.memory_space<vmem>> -> memref<512xi32, #tpu.memory_space<vmem>>
    %dma_wait3A_684 = tpu.memref_slice %arg2[%dma_wait3A_681, %multiple_of3A_680] : memref<26x16384xi32, #tpu.memory_space<hbm>> -> memref<1x512xi32, #tpu.memory_space<hbm>>
    %dma_wait3A_685 = tpu.memref_squeeze %dma_wait3A_684 : memref<1x512xi32, #tpu.memory_space<hbm>> -> memref<512xi32, #tpu.memory_space<hbm>>
    %dma_wait3A_686 = arith.constant 10752 : i32
    %dma_wait3A_687 = tpu.memref_slice %arg6[%dma_wait3A_686] : memref<13312xi32, #tpu.memory_space<vmem>> -> memref<512xi32, #tpu.memory_space<vmem>>
    %dma_wait3A_688 = tpu.memref_slice %arg2[%dma_wait3A_681, %multiple_of3A_680] : memref<26x16384xi32, #tpu.memory_space<hbm>> -> memref<1x512xi32, #tpu.memory_space<hbm>>
    %dma_wait3A_689 = tpu.memref_squeeze %dma_wait3A_688 : memref<1x512xi32, #tpu.memory_space<hbm>> -> memref<512xi32, #tpu.memory_space<hbm>>
    tpu.wait_dma2 semaphore(%arg10 : memref<!tpu.dma_semaphore, #tpu.memory_space<semaphore_mem>>) src(%dma_wait3A_689 : memref<512xi32, #tpu.memory_space<hbm>>) dst(%dma_wait3A_687 : memref<512xi32, #tpu.memory_space<vmem>>)
    %dma_start3A_690 = arith.constant 0 : i32
    %dma_start3A_691 = arith.constant 10752 : i32
    %dma_start3A_692 = tpu.memref_slice %arg7[%dma_start3A_691] : memref<13312xf32, #tpu.memory_space<vmem>> -> memref<512xf32, #tpu.memory_space<vmem>>
    %dma_start3A_693 = arith.constant 10752 : i32
    %dma_start3A_694 = tpu.memref_slice %arg6[%dma_start3A_693] : memref<13312xi32, #tpu.memory_space<vmem>> -> memref<512xi32, #tpu.memory_space<vmem>>
    %dma_start3A_695 = arith.constant 0 : i32
    %dma_start3A_696 = tpu.memref_slice %arg3[%dma_start3A_690, %dma_start3A_695] : memref<1x1000000xf32, #tpu.memory_space<hbm>> -> memref<1x1000000xf32, #tpu.memory_space<hbm>>
    %dma_start3A_697 = tpu.memref_squeeze %dma_start3A_696 : memref<1x1000000xf32, #tpu.memory_space<hbm>> -> memref<1000000xf32, #tpu.memory_space<hbm>>
    %dma_start3A_698 = arith.constant 0 : i32
    %dma_start3A_699 = tpu.memref_slice %dma_start3A_697[%dma_start3A_698] : memref<1000000xf32, #tpu.memory_space<hbm>> -> memref<1000000xf32, #tpu.memory_space<hbm>>
    tpu.enqueue_indirect_dma source(%dma_start3A_699 : memref<1000000xf32, #tpu.memory_space<hbm>>) target(%dma_start3A_692 : memref<512xf32, #tpu.memory_space<vmem>>) offsets(%dma_start3A_694 : memref<512xi32, #tpu.memory_space<vmem>>) semaphore(%arg11 : memref<!tpu.dma_semaphore, #tpu.memory_space<semaphore_mem>>)
    %multiple_of3A_700 = tpu.assume_multiple %mul3A_2, 128 : i32
    %dma_wait3A_701 = arith.constant 22 : i32
    %dma_wait3A_702 = arith.constant 11264 : i32
    %dma_wait3A_703 = tpu.memref_slice %arg6[%dma_wait3A_702] : memref<13312xi32, #tpu.memory_space<vmem>> -> memref<512xi32, #tpu.memory_space<vmem>>
    %dma_wait3A_704 = tpu.memref_slice %arg2[%dma_wait3A_701, %multiple_of3A_700] : memref<26x16384xi32, #tpu.memory_space<hbm>> -> memref<1x512xi32, #tpu.memory_space<hbm>>
    %dma_wait3A_705 = tpu.memref_squeeze %dma_wait3A_704 : memref<1x512xi32, #tpu.memory_space<hbm>> -> memref<512xi32, #tpu.memory_space<hbm>>
    %dma_wait3A_706 = arith.constant 11264 : i32
    %dma_wait3A_707 = tpu.memref_slice %arg6[%dma_wait3A_706] : memref<13312xi32, #tpu.memory_space<vmem>> -> memref<512xi32, #tpu.memory_space<vmem>>
    %dma_wait3A_708 = tpu.memref_slice %arg2[%dma_wait3A_701, %multiple_of3A_700] : memref<26x16384xi32, #tpu.memory_space<hbm>> -> memref<1x512xi32, #tpu.memory_space<hbm>>
    %dma_wait3A_709 = tpu.memref_squeeze %dma_wait3A_708 : memref<1x512xi32, #tpu.memory_space<hbm>> -> memref<512xi32, #tpu.memory_space<hbm>>
    tpu.wait_dma2 semaphore(%arg10 : memref<!tpu.dma_semaphore, #tpu.memory_space<semaphore_mem>>) src(%dma_wait3A_709 : memref<512xi32, #tpu.memory_space<hbm>>) dst(%dma_wait3A_707 : memref<512xi32, #tpu.memory_space<vmem>>)
    %dma_start3A_710 = arith.constant 0 : i32
    %dma_start3A_711 = arith.constant 11264 : i32
    %dma_start3A_712 = tpu.memref_slice %arg7[%dma_start3A_711] : memref<13312xf32, #tpu.memory_space<vmem>> -> memref<512xf32, #tpu.memory_space<vmem>>
    %dma_start3A_713 = arith.constant 11264 : i32
    %dma_start3A_714 = tpu.memref_slice %arg6[%dma_start3A_713] : memref<13312xi32, #tpu.memory_space<vmem>> -> memref<512xi32, #tpu.memory_space<vmem>>
    %dma_start3A_715 = arith.constant 0 : i32
    %dma_start3A_716 = tpu.memref_slice %arg3[%dma_start3A_710, %dma_start3A_715] : memref<1x1000000xf32, #tpu.memory_space<hbm>> -> memref<1x1000000xf32, #tpu.memory_space<hbm>>
    %dma_start3A_717 = tpu.memref_squeeze %dma_start3A_716 : memref<1x1000000xf32, #tpu.memory_space<hbm>> -> memref<1000000xf32, #tpu.memory_space<hbm>>
    %dma_start3A_718 = arith.constant 0 : i32
    %dma_start3A_719 = tpu.memref_slice %dma_start3A_717[%dma_start3A_718] : memref<1000000xf32, #tpu.memory_space<hbm>> -> memref<1000000xf32, #tpu.memory_space<hbm>>
    tpu.enqueue_indirect_dma source(%dma_start3A_719 : memref<1000000xf32, #tpu.memory_space<hbm>>) target(%dma_start3A_712 : memref<512xf32, #tpu.memory_space<vmem>>) offsets(%dma_start3A_714 : memref<512xi32, #tpu.memory_space<vmem>>) semaphore(%arg11 : memref<!tpu.dma_semaphore, #tpu.memory_space<semaphore_mem>>)
    %multiple_of3A_720 = tpu.assume_multiple %mul3A_2, 128 : i32
    %dma_wait3A_721 = arith.constant 23 : i32
    %dma_wait3A_722 = arith.constant 11776 : i32
    %dma_wait3A_723 = tpu.memref_slice %arg6[%dma_wait3A_722] : memref<13312xi32, #tpu.memory_space<vmem>> -> memref<512xi32, #tpu.memory_space<vmem>>
    %dma_wait3A_724 = tpu.memref_slice %arg2[%dma_wait3A_721, %multiple_of3A_720] : memref<26x16384xi32, #tpu.memory_space<hbm>> -> memref<1x512xi32, #tpu.memory_space<hbm>>
    %dma_wait3A_725 = tpu.memref_squeeze %dma_wait3A_724 : memref<1x512xi32, #tpu.memory_space<hbm>> -> memref<512xi32, #tpu.memory_space<hbm>>
    %dma_wait3A_726 = arith.constant 11776 : i32
    %dma_wait3A_727 = tpu.memref_slice %arg6[%dma_wait3A_726] : memref<13312xi32, #tpu.memory_space<vmem>> -> memref<512xi32, #tpu.memory_space<vmem>>
    %dma_wait3A_728 = tpu.memref_slice %arg2[%dma_wait3A_721, %multiple_of3A_720] : memref<26x16384xi32, #tpu.memory_space<hbm>> -> memref<1x512xi32, #tpu.memory_space<hbm>>
    %dma_wait3A_729 = tpu.memref_squeeze %dma_wait3A_728 : memref<1x512xi32, #tpu.memory_space<hbm>> -> memref<512xi32, #tpu.memory_space<hbm>>
    tpu.wait_dma2 semaphore(%arg10 : memref<!tpu.dma_semaphore, #tpu.memory_space<semaphore_mem>>) src(%dma_wait3A_729 : memref<512xi32, #tpu.memory_space<hbm>>) dst(%dma_wait3A_727 : memref<512xi32, #tpu.memory_space<vmem>>)
    %dma_start3A_730 = arith.constant 0 : i32
    %dma_start3A_731 = arith.constant 11776 : i32
    %dma_start3A_732 = tpu.memref_slice %arg7[%dma_start3A_731] : memref<13312xf32, #tpu.memory_space<vmem>> -> memref<512xf32, #tpu.memory_space<vmem>>
    %dma_start3A_733 = arith.constant 11776 : i32
    %dma_start3A_734 = tpu.memref_slice %arg6[%dma_start3A_733] : memref<13312xi32, #tpu.memory_space<vmem>> -> memref<512xi32, #tpu.memory_space<vmem>>
    %dma_start3A_735 = arith.constant 0 : i32
    %dma_start3A_736 = tpu.memref_slice %arg3[%dma_start3A_730, %dma_start3A_735] : memref<1x1000000xf32, #tpu.memory_space<hbm>> -> memref<1x1000000xf32, #tpu.memory_space<hbm>>
    %dma_start3A_737 = tpu.memref_squeeze %dma_start3A_736 : memref<1x1000000xf32, #tpu.memory_space<hbm>> -> memref<1000000xf32, #tpu.memory_space<hbm>>
    %dma_start3A_738 = arith.constant 0 : i32
    %dma_start3A_739 = tpu.memref_slice %dma_start3A_737[%dma_start3A_738] : memref<1000000xf32, #tpu.memory_space<hbm>> -> memref<1000000xf32, #tpu.memory_space<hbm>>
    tpu.enqueue_indirect_dma source(%dma_start3A_739 : memref<1000000xf32, #tpu.memory_space<hbm>>) target(%dma_start3A_732 : memref<512xf32, #tpu.memory_space<vmem>>) offsets(%dma_start3A_734 : memref<512xi32, #tpu.memory_space<vmem>>) semaphore(%arg11 : memref<!tpu.dma_semaphore, #tpu.memory_space<semaphore_mem>>)
    %multiple_of3A_740 = tpu.assume_multiple %mul3A_2, 128 : i32
    %dma_wait3A_741 = arith.constant 24 : i32
    %dma_wait3A_742 = arith.constant 12288 : i32
    %dma_wait3A_743 = tpu.memref_slice %arg6[%dma_wait3A_742] : memref<13312xi32, #tpu.memory_space<vmem>> -> memref<512xi32, #tpu.memory_space<vmem>>
    %dma_wait3A_744 = tpu.memref_slice %arg2[%dma_wait3A_741, %multiple_of3A_740] : memref<26x16384xi32, #tpu.memory_space<hbm>> -> memref<1x512xi32, #tpu.memory_space<hbm>>
    %dma_wait3A_745 = tpu.memref_squeeze %dma_wait3A_744 : memref<1x512xi32, #tpu.memory_space<hbm>> -> memref<512xi32, #tpu.memory_space<hbm>>
    %dma_wait3A_746 = arith.constant 12288 : i32
    %dma_wait3A_747 = tpu.memref_slice %arg6[%dma_wait3A_746] : memref<13312xi32, #tpu.memory_space<vmem>> -> memref<512xi32, #tpu.memory_space<vmem>>
    %dma_wait3A_748 = tpu.memref_slice %arg2[%dma_wait3A_741, %multiple_of3A_740] : memref<26x16384xi32, #tpu.memory_space<hbm>> -> memref<1x512xi32, #tpu.memory_space<hbm>>
    %dma_wait3A_749 = tpu.memref_squeeze %dma_wait3A_748 : memref<1x512xi32, #tpu.memory_space<hbm>> -> memref<512xi32, #tpu.memory_space<hbm>>
    tpu.wait_dma2 semaphore(%arg10 : memref<!tpu.dma_semaphore, #tpu.memory_space<semaphore_mem>>) src(%dma_wait3A_749 : memref<512xi32, #tpu.memory_space<hbm>>) dst(%dma_wait3A_747 : memref<512xi32, #tpu.memory_space<vmem>>)
    %dma_start3A_750 = arith.constant 0 : i32
    %dma_start3A_751 = arith.constant 12288 : i32
    %dma_start3A_752 = tpu.memref_slice %arg7[%dma_start3A_751] : memref<13312xf32, #tpu.memory_space<vmem>> -> memref<512xf32, #tpu.memory_space<vmem>>
    %dma_start3A_753 = arith.constant 12288 : i32
    %dma_start3A_754 = tpu.memref_slice %arg6[%dma_start3A_753] : memref<13312xi32, #tpu.memory_space<vmem>> -> memref<512xi32, #tpu.memory_space<vmem>>
    %dma_start3A_755 = arith.constant 0 : i32
    %dma_start3A_756 = tpu.memref_slice %arg3[%dma_start3A_750, %dma_start3A_755] : memref<1x1000000xf32, #tpu.memory_space<hbm>> -> memref<1x1000000xf32, #tpu.memory_space<hbm>>
    %dma_start3A_757 = tpu.memref_squeeze %dma_start3A_756 : memref<1x1000000xf32, #tpu.memory_space<hbm>> -> memref<1000000xf32, #tpu.memory_space<hbm>>
    %dma_start3A_758 = arith.constant 0 : i32
    %dma_start3A_759 = tpu.memref_slice %dma_start3A_757[%dma_start3A_758] : memref<1000000xf32, #tpu.memory_space<hbm>> -> memref<1000000xf32, #tpu.memory_space<hbm>>
    tpu.enqueue_indirect_dma source(%dma_start3A_759 : memref<1000000xf32, #tpu.memory_space<hbm>>) target(%dma_start3A_752 : memref<512xf32, #tpu.memory_space<vmem>>) offsets(%dma_start3A_754 : memref<512xi32, #tpu.memory_space<vmem>>) semaphore(%arg11 : memref<!tpu.dma_semaphore, #tpu.memory_space<semaphore_mem>>)
    %multiple_of3A_760 = tpu.assume_multiple %mul3A_2, 128 : i32
    %dma_wait3A_761 = arith.constant 25 : i32
    %dma_wait3A_762 = arith.constant 12800 : i32
    %dma_wait3A_763 = tpu.memref_slice %arg6[%dma_wait3A_762] : memref<13312xi32, #tpu.memory_space<vmem>> -> memref<512xi32, #tpu.memory_space<vmem>>
    %dma_wait3A_764 = tpu.memref_slice %arg2[%dma_wait3A_761, %multiple_of3A_760] : memref<26x16384xi32, #tpu.memory_space<hbm>> -> memref<1x512xi32, #tpu.memory_space<hbm>>
    %dma_wait3A_765 = tpu.memref_squeeze %dma_wait3A_764 : memref<1x512xi32, #tpu.memory_space<hbm>> -> memref<512xi32, #tpu.memory_space<hbm>>
    %dma_wait3A_766 = arith.constant 12800 : i32
    %dma_wait3A_767 = tpu.memref_slice %arg6[%dma_wait3A_766] : memref<13312xi32, #tpu.memory_space<vmem>> -> memref<512xi32, #tpu.memory_space<vmem>>
    %dma_wait3A_768 = tpu.memref_slice %arg2[%dma_wait3A_761, %multiple_of3A_760] : memref<26x16384xi32, #tpu.memory_space<hbm>> -> memref<1x512xi32, #tpu.memory_space<hbm>>
    %dma_wait3A_769 = tpu.memref_squeeze %dma_wait3A_768 : memref<1x512xi32, #tpu.memory_space<hbm>> -> memref<512xi32, #tpu.memory_space<hbm>>
    tpu.wait_dma2 semaphore(%arg10 : memref<!tpu.dma_semaphore, #tpu.memory_space<semaphore_mem>>) src(%dma_wait3A_769 : memref<512xi32, #tpu.memory_space<hbm>>) dst(%dma_wait3A_767 : memref<512xi32, #tpu.memory_space<vmem>>)
    %dma_start3A_770 = arith.constant 0 : i32
    %dma_start3A_771 = arith.constant 12800 : i32
    %dma_start3A_772 = tpu.memref_slice %arg7[%dma_start3A_771] : memref<13312xf32, #tpu.memory_space<vmem>> -> memref<512xf32, #tpu.memory_space<vmem>>
    %dma_start3A_773 = arith.constant 12800 : i32
    %dma_start3A_774 = tpu.memref_slice %arg6[%dma_start3A_773] : memref<13312xi32, #tpu.memory_space<vmem>> -> memref<512xi32, #tpu.memory_space<vmem>>
    %dma_start3A_775 = arith.constant 0 : i32
    %dma_start3A_776 = tpu.memref_slice %arg3[%dma_start3A_770, %dma_start3A_775] : memref<1x1000000xf32, #tpu.memory_space<hbm>> -> memref<1x1000000xf32, #tpu.memory_space<hbm>>
    %dma_start3A_777 = tpu.memref_squeeze %dma_start3A_776 : memref<1x1000000xf32, #tpu.memory_space<hbm>> -> memref<1000000xf32, #tpu.memory_space<hbm>>
    %dma_start3A_778 = arith.constant 0 : i32
    %dma_start3A_779 = tpu.memref_slice %dma_start3A_777[%dma_start3A_778] : memref<1000000xf32, #tpu.memory_space<hbm>> -> memref<1000000xf32, #tpu.memory_space<hbm>>
    tpu.enqueue_indirect_dma source(%dma_start3A_779 : memref<1000000xf32, #tpu.memory_space<hbm>>) target(%dma_start3A_772 : memref<512xf32, #tpu.memory_space<vmem>>) offsets(%dma_start3A_774 : memref<512xi32, #tpu.memory_space<vmem>>) semaphore(%arg11 : memref<!tpu.dma_semaphore, #tpu.memory_space<semaphore_mem>>)
    tpu.wait_dma2 semaphore(%arg11 : memref<!tpu.dma_semaphore, #tpu.memory_space<semaphore_mem>>) src(%arg4 : memref<1xf32, #tpu.memory_space<hbm>>) dst(%arg9 : memref<1xf32, #tpu.memory_space<vmem>>)
    %dma_wait3A_780 = arith.constant 0 : i32
    %dma_wait3A_781 = arith.constant 0 : i32
    %dma_wait3A_782 = tpu.memref_slice %arg7[%dma_wait3A_781] : memref<13312xf32, #tpu.memory_space<vmem>> -> memref<512xf32, #tpu.memory_space<vmem>>
    %dma_wait3A_783 = arith.constant 0 : i32
    %dma_wait3A_784 = tpu.memref_slice %arg6[%dma_wait3A_783] : memref<13312xi32, #tpu.memory_space<vmem>> -> memref<512xi32, #tpu.memory_space<vmem>>
    %dma_wait3A_785 = arith.constant 0 : i32
    %dma_wait3A_786 = tpu.memref_slice %arg3[%dma_wait3A_780, %dma_wait3A_785] : memref<1x1000000xf32, #tpu.memory_space<hbm>> -> memref<1x1000000xf32, #tpu.memory_space<hbm>>
    %dma_wait3A_787 = tpu.memref_squeeze %dma_wait3A_786 : memref<1x1000000xf32, #tpu.memory_space<hbm>> -> memref<1000000xf32, #tpu.memory_space<hbm>>
    %dma_wait3A_788 = arith.constant 0 : i32
    %dma_wait3A_789 = tpu.memref_slice %dma_wait3A_787[%dma_wait3A_788] : memref<1000000xf32, #tpu.memory_space<hbm>> -> memref<1000000xf32, #tpu.memory_space<hbm>>
    tpu.wait_indirect_dma semaphore(%arg11 : memref<!tpu.dma_semaphore, #tpu.memory_space<semaphore_mem>>) src(%dma_wait3A_789 : memref<1000000xf32, #tpu.memory_space<hbm>>) dst(%dma_wait3A_782 : memref<512xf32, #tpu.memory_space<vmem>>)
    %dma_wait3A_790 = arith.constant 0 : i32
    %dma_wait3A_791 = arith.constant 512 : i32
    %dma_wait3A_792 = tpu.memref_slice %arg7[%dma_wait3A_791] : memref<13312xf32, #tpu.memory_space<vmem>> -> memref<512xf32, #tpu.memory_space<vmem>>
    %dma_wait3A_793 = arith.constant 512 : i32
    %dma_wait3A_794 = tpu.memref_slice %arg6[%dma_wait3A_793] : memref<13312xi32, #tpu.memory_space<vmem>> -> memref<512xi32, #tpu.memory_space<vmem>>
    %dma_wait3A_795 = arith.constant 0 : i32
    %dma_wait3A_796 = tpu.memref_slice %arg3[%dma_wait3A_790, %dma_wait3A_795] : memref<1x1000000xf32, #tpu.memory_space<hbm>> -> memref<1x1000000xf32, #tpu.memory_space<hbm>>
    %dma_wait3A_797 = tpu.memref_squeeze %dma_wait3A_796 : memref<1x1000000xf32, #tpu.memory_space<hbm>> -> memref<1000000xf32, #tpu.memory_space<hbm>>
    %dma_wait3A_798 = arith.constant 0 : i32
    %dma_wait3A_799 = tpu.memref_slice %dma_wait3A_797[%dma_wait3A_798] : memref<1000000xf32, #tpu.memory_space<hbm>> -> memref<1000000xf32, #tpu.memory_space<hbm>>
    tpu.wait_indirect_dma semaphore(%arg11 : memref<!tpu.dma_semaphore, #tpu.memory_space<semaphore_mem>>) src(%dma_wait3A_799 : memref<1000000xf32, #tpu.memory_space<hbm>>) dst(%dma_wait3A_792 : memref<512xf32, #tpu.memory_space<vmem>>)
    %dma_wait3A_800 = arith.constant 0 : i32
    %dma_wait3A_801 = arith.constant 1024 : i32
    %dma_wait3A_802 = tpu.memref_slice %arg7[%dma_wait3A_801] : memref<13312xf32, #tpu.memory_space<vmem>> -> memref<512xf32, #tpu.memory_space<vmem>>
    %dma_wait3A_803 = arith.constant 1024 : i32
    %dma_wait3A_804 = tpu.memref_slice %arg6[%dma_wait3A_803] : memref<13312xi32, #tpu.memory_space<vmem>> -> memref<512xi32, #tpu.memory_space<vmem>>
    %dma_wait3A_805 = arith.constant 0 : i32
    %dma_wait3A_806 = tpu.memref_slice %arg3[%dma_wait3A_800, %dma_wait3A_805] : memref<1x1000000xf32, #tpu.memory_space<hbm>> -> memref<1x1000000xf32, #tpu.memory_space<hbm>>
    %dma_wait3A_807 = tpu.memref_squeeze %dma_wait3A_806 : memref<1x1000000xf32, #tpu.memory_space<hbm>> -> memref<1000000xf32, #tpu.memory_space<hbm>>
    %dma_wait3A_808 = arith.constant 0 : i32
    %dma_wait3A_809 = tpu.memref_slice %dma_wait3A_807[%dma_wait3A_808] : memref<1000000xf32, #tpu.memory_space<hbm>> -> memref<1000000xf32, #tpu.memory_space<hbm>>
    tpu.wait_indirect_dma semaphore(%arg11 : memref<!tpu.dma_semaphore, #tpu.memory_space<semaphore_mem>>) src(%dma_wait3A_809 : memref<1000000xf32, #tpu.memory_space<hbm>>) dst(%dma_wait3A_802 : memref<512xf32, #tpu.memory_space<vmem>>)
    %dma_wait3A_810 = arith.constant 0 : i32
    %dma_wait3A_811 = arith.constant 1536 : i32
    %dma_wait3A_812 = tpu.memref_slice %arg7[%dma_wait3A_811] : memref<13312xf32, #tpu.memory_space<vmem>> -> memref<512xf32, #tpu.memory_space<vmem>>
    %dma_wait3A_813 = arith.constant 1536 : i32
    %dma_wait3A_814 = tpu.memref_slice %arg6[%dma_wait3A_813] : memref<13312xi32, #tpu.memory_space<vmem>> -> memref<512xi32, #tpu.memory_space<vmem>>
    %dma_wait3A_815 = arith.constant 0 : i32
    %dma_wait3A_816 = tpu.memref_slice %arg3[%dma_wait3A_810, %dma_wait3A_815] : memref<1x1000000xf32, #tpu.memory_space<hbm>> -> memref<1x1000000xf32, #tpu.memory_space<hbm>>
    %dma_wait3A_817 = tpu.memref_squeeze %dma_wait3A_816 : memref<1x1000000xf32, #tpu.memory_space<hbm>> -> memref<1000000xf32, #tpu.memory_space<hbm>>
    %dma_wait3A_818 = arith.constant 0 : i32
    %dma_wait3A_819 = tpu.memref_slice %dma_wait3A_817[%dma_wait3A_818] : memref<1000000xf32, #tpu.memory_space<hbm>> -> memref<1000000xf32, #tpu.memory_space<hbm>>
    tpu.wait_indirect_dma semaphore(%arg11 : memref<!tpu.dma_semaphore, #tpu.memory_space<semaphore_mem>>) src(%dma_wait3A_819 : memref<1000000xf32, #tpu.memory_space<hbm>>) dst(%dma_wait3A_812 : memref<512xf32, #tpu.memory_space<vmem>>)
    %dma_wait3A_820 = arith.constant 0 : i32
    %dma_wait3A_821 = arith.constant 2048 : i32
    %dma_wait3A_822 = tpu.memref_slice %arg7[%dma_wait3A_821] : memref<13312xf32, #tpu.memory_space<vmem>> -> memref<512xf32, #tpu.memory_space<vmem>>
    %dma_wait3A_823 = arith.constant 2048 : i32
    %dma_wait3A_824 = tpu.memref_slice %arg6[%dma_wait3A_823] : memref<13312xi32, #tpu.memory_space<vmem>> -> memref<512xi32, #tpu.memory_space<vmem>>
    %dma_wait3A_825 = arith.constant 0 : i32
    %dma_wait3A_826 = tpu.memref_slice %arg3[%dma_wait3A_820, %dma_wait3A_825] : memref<1x1000000xf32, #tpu.memory_space<hbm>> -> memref<1x1000000xf32, #tpu.memory_space<hbm>>
    %dma_wait3A_827 = tpu.memref_squeeze %dma_wait3A_826 : memref<1x1000000xf32, #tpu.memory_space<hbm>> -> memref<1000000xf32, #tpu.memory_space<hbm>>
    %dma_wait3A_828 = arith.constant 0 : i32
    %dma_wait3A_829 = tpu.memref_slice %dma_wait3A_827[%dma_wait3A_828] : memref<1000000xf32, #tpu.memory_space<hbm>> -> memref<1000000xf32, #tpu.memory_space<hbm>>
    tpu.wait_indirect_dma semaphore(%arg11 : memref<!tpu.dma_semaphore, #tpu.memory_space<semaphore_mem>>) src(%dma_wait3A_829 : memref<1000000xf32, #tpu.memory_space<hbm>>) dst(%dma_wait3A_822 : memref<512xf32, #tpu.memory_space<vmem>>)
    %dma_wait3A_830 = arith.constant 0 : i32
    %dma_wait3A_831 = arith.constant 2560 : i32
    %dma_wait3A_832 = tpu.memref_slice %arg7[%dma_wait3A_831] : memref<13312xf32, #tpu.memory_space<vmem>> -> memref<512xf32, #tpu.memory_space<vmem>>
    %dma_wait3A_833 = arith.constant 2560 : i32
    %dma_wait3A_834 = tpu.memref_slice %arg6[%dma_wait3A_833] : memref<13312xi32, #tpu.memory_space<vmem>> -> memref<512xi32, #tpu.memory_space<vmem>>
    %dma_wait3A_835 = arith.constant 0 : i32
    %dma_wait3A_836 = tpu.memref_slice %arg3[%dma_wait3A_830, %dma_wait3A_835] : memref<1x1000000xf32, #tpu.memory_space<hbm>> -> memref<1x1000000xf32, #tpu.memory_space<hbm>>
    %dma_wait3A_837 = tpu.memref_squeeze %dma_wait3A_836 : memref<1x1000000xf32, #tpu.memory_space<hbm>> -> memref<1000000xf32, #tpu.memory_space<hbm>>
    %dma_wait3A_838 = arith.constant 0 : i32
    %dma_wait3A_839 = tpu.memref_slice %dma_wait3A_837[%dma_wait3A_838] : memref<1000000xf32, #tpu.memory_space<hbm>> -> memref<1000000xf32, #tpu.memory_space<hbm>>
    tpu.wait_indirect_dma semaphore(%arg11 : memref<!tpu.dma_semaphore, #tpu.memory_space<semaphore_mem>>) src(%dma_wait3A_839 : memref<1000000xf32, #tpu.memory_space<hbm>>) dst(%dma_wait3A_832 : memref<512xf32, #tpu.memory_space<vmem>>)
    %dma_wait3A_840 = arith.constant 0 : i32
    %dma_wait3A_841 = arith.constant 3072 : i32
    %dma_wait3A_842 = tpu.memref_slice %arg7[%dma_wait3A_841] : memref<13312xf32, #tpu.memory_space<vmem>> -> memref<512xf32, #tpu.memory_space<vmem>>
    %dma_wait3A_843 = arith.constant 3072 : i32
    %dma_wait3A_844 = tpu.memref_slice %arg6[%dma_wait3A_843] : memref<13312xi32, #tpu.memory_space<vmem>> -> memref<512xi32, #tpu.memory_space<vmem>>
    %dma_wait3A_845 = arith.constant 0 : i32
    %dma_wait3A_846 = tpu.memref_slice %arg3[%dma_wait3A_840, %dma_wait3A_845] : memref<1x1000000xf32, #tpu.memory_space<hbm>> -> memref<1x1000000xf32, #tpu.memory_space<hbm>>
    %dma_wait3A_847 = tpu.memref_squeeze %dma_wait3A_846 : memref<1x1000000xf32, #tpu.memory_space<hbm>> -> memref<1000000xf32, #tpu.memory_space<hbm>>
    %dma_wait3A_848 = arith.constant 0 : i32
    %dma_wait3A_849 = tpu.memref_slice %dma_wait3A_847[%dma_wait3A_848] : memref<1000000xf32, #tpu.memory_space<hbm>> -> memref<1000000xf32, #tpu.memory_space<hbm>>
    tpu.wait_indirect_dma semaphore(%arg11 : memref<!tpu.dma_semaphore, #tpu.memory_space<semaphore_mem>>) src(%dma_wait3A_849 : memref<1000000xf32, #tpu.memory_space<hbm>>) dst(%dma_wait3A_842 : memref<512xf32, #tpu.memory_space<vmem>>)
    %dma_wait3A_850 = arith.constant 0 : i32
    %dma_wait3A_851 = arith.constant 3584 : i32
    %dma_wait3A_852 = tpu.memref_slice %arg7[%dma_wait3A_851] : memref<13312xf32, #tpu.memory_space<vmem>> -> memref<512xf32, #tpu.memory_space<vmem>>
    %dma_wait3A_853 = arith.constant 3584 : i32
    %dma_wait3A_854 = tpu.memref_slice %arg6[%dma_wait3A_853] : memref<13312xi32, #tpu.memory_space<vmem>> -> memref<512xi32, #tpu.memory_space<vmem>>
    %dma_wait3A_855 = arith.constant 0 : i32
    %dma_wait3A_856 = tpu.memref_slice %arg3[%dma_wait3A_850, %dma_wait3A_855] : memref<1x1000000xf32, #tpu.memory_space<hbm>> -> memref<1x1000000xf32, #tpu.memory_space<hbm>>
    %dma_wait3A_857 = tpu.memref_squeeze %dma_wait3A_856 : memref<1x1000000xf32, #tpu.memory_space<hbm>> -> memref<1000000xf32, #tpu.memory_space<hbm>>
    %dma_wait3A_858 = arith.constant 0 : i32
    %dma_wait3A_859 = tpu.memref_slice %dma_wait3A_857[%dma_wait3A_858] : memref<1000000xf32, #tpu.memory_space<hbm>> -> memref<1000000xf32, #tpu.memory_space<hbm>>
    tpu.wait_indirect_dma semaphore(%arg11 : memref<!tpu.dma_semaphore, #tpu.memory_space<semaphore_mem>>) src(%dma_wait3A_859 : memref<1000000xf32, #tpu.memory_space<hbm>>) dst(%dma_wait3A_852 : memref<512xf32, #tpu.memory_space<vmem>>)
    %dma_wait3A_860 = arith.constant 0 : i32
    %dma_wait3A_861 = arith.constant 4096 : i32
    %dma_wait3A_862 = tpu.memref_slice %arg7[%dma_wait3A_861] : memref<13312xf32, #tpu.memory_space<vmem>> -> memref<512xf32, #tpu.memory_space<vmem>>
    %dma_wait3A_863 = arith.constant 4096 : i32
    %dma_wait3A_864 = tpu.memref_slice %arg6[%dma_wait3A_863] : memref<13312xi32, #tpu.memory_space<vmem>> -> memref<512xi32, #tpu.memory_space<vmem>>
    %dma_wait3A_865 = arith.constant 0 : i32
    %dma_wait3A_866 = tpu.memref_slice %arg3[%dma_wait3A_860, %dma_wait3A_865] : memref<1x1000000xf32, #tpu.memory_space<hbm>> -> memref<1x1000000xf32, #tpu.memory_space<hbm>>
    %dma_wait3A_867 = tpu.memref_squeeze %dma_wait3A_866 : memref<1x1000000xf32, #tpu.memory_space<hbm>> -> memref<1000000xf32, #tpu.memory_space<hbm>>
    %dma_wait3A_868 = arith.constant 0 : i32
    %dma_wait3A_869 = tpu.memref_slice %dma_wait3A_867[%dma_wait3A_868] : memref<1000000xf32, #tpu.memory_space<hbm>> -> memref<1000000xf32, #tpu.memory_space<hbm>>
    tpu.wait_indirect_dma semaphore(%arg11 : memref<!tpu.dma_semaphore, #tpu.memory_space<semaphore_mem>>) src(%dma_wait3A_869 : memref<1000000xf32, #tpu.memory_space<hbm>>) dst(%dma_wait3A_862 : memref<512xf32, #tpu.memory_space<vmem>>)
    %dma_wait3A_870 = arith.constant 0 : i32
    %dma_wait3A_871 = arith.constant 4608 : i32
    %dma_wait3A_872 = tpu.memref_slice %arg7[%dma_wait3A_871] : memref<13312xf32, #tpu.memory_space<vmem>> -> memref<512xf32, #tpu.memory_space<vmem>>
    %dma_wait3A_873 = arith.constant 4608 : i32
    %dma_wait3A_874 = tpu.memref_slice %arg6[%dma_wait3A_873] : memref<13312xi32, #tpu.memory_space<vmem>> -> memref<512xi32, #tpu.memory_space<vmem>>
    %dma_wait3A_875 = arith.constant 0 : i32
    %dma_wait3A_876 = tpu.memref_slice %arg3[%dma_wait3A_870, %dma_wait3A_875] : memref<1x1000000xf32, #tpu.memory_space<hbm>> -> memref<1x1000000xf32, #tpu.memory_space<hbm>>
    %dma_wait3A_877 = tpu.memref_squeeze %dma_wait3A_876 : memref<1x1000000xf32, #tpu.memory_space<hbm>> -> memref<1000000xf32, #tpu.memory_space<hbm>>
    %dma_wait3A_878 = arith.constant 0 : i32
    %dma_wait3A_879 = tpu.memref_slice %dma_wait3A_877[%dma_wait3A_878] : memref<1000000xf32, #tpu.memory_space<hbm>> -> memref<1000000xf32, #tpu.memory_space<hbm>>
    tpu.wait_indirect_dma semaphore(%arg11 : memref<!tpu.dma_semaphore, #tpu.memory_space<semaphore_mem>>) src(%dma_wait3A_879 : memref<1000000xf32, #tpu.memory_space<hbm>>) dst(%dma_wait3A_872 : memref<512xf32, #tpu.memory_space<vmem>>)
    %dma_wait3A_880 = arith.constant 0 : i32
    %dma_wait3A_881 = arith.constant 5120 : i32
    %dma_wait3A_882 = tpu.memref_slice %arg7[%dma_wait3A_881] : memref<13312xf32, #tpu.memory_space<vmem>> -> memref<512xf32, #tpu.memory_space<vmem>>
    %dma_wait3A_883 = arith.constant 5120 : i32
    %dma_wait3A_884 = tpu.memref_slice %arg6[%dma_wait3A_883] : memref<13312xi32, #tpu.memory_space<vmem>> -> memref<512xi32, #tpu.memory_space<vmem>>
    %dma_wait3A_885 = arith.constant 0 : i32
    %dma_wait3A_886 = tpu.memref_slice %arg3[%dma_wait3A_880, %dma_wait3A_885] : memref<1x1000000xf32, #tpu.memory_space<hbm>> -> memref<1x1000000xf32, #tpu.memory_space<hbm>>
    %dma_wait3A_887 = tpu.memref_squeeze %dma_wait3A_886 : memref<1x1000000xf32, #tpu.memory_space<hbm>> -> memref<1000000xf32, #tpu.memory_space<hbm>>
    %dma_wait3A_888 = arith.constant 0 : i32
    %dma_wait3A_889 = tpu.memref_slice %dma_wait3A_887[%dma_wait3A_888] : memref<1000000xf32, #tpu.memory_space<hbm>> -> memref<1000000xf32, #tpu.memory_space<hbm>>
    tpu.wait_indirect_dma semaphore(%arg11 : memref<!tpu.dma_semaphore, #tpu.memory_space<semaphore_mem>>) src(%dma_wait3A_889 : memref<1000000xf32, #tpu.memory_space<hbm>>) dst(%dma_wait3A_882 : memref<512xf32, #tpu.memory_space<vmem>>)
    %dma_wait3A_890 = arith.constant 0 : i32
    %dma_wait3A_891 = arith.constant 5632 : i32
    %dma_wait3A_892 = tpu.memref_slice %arg7[%dma_wait3A_891] : memref<13312xf32, #tpu.memory_space<vmem>> -> memref<512xf32, #tpu.memory_space<vmem>>
    %dma_wait3A_893 = arith.constant 5632 : i32
    %dma_wait3A_894 = tpu.memref_slice %arg6[%dma_wait3A_893] : memref<13312xi32, #tpu.memory_space<vmem>> -> memref<512xi32, #tpu.memory_space<vmem>>
    %dma_wait3A_895 = arith.constant 0 : i32
    %dma_wait3A_896 = tpu.memref_slice %arg3[%dma_wait3A_890, %dma_wait3A_895] : memref<1x1000000xf32, #tpu.memory_space<hbm>> -> memref<1x1000000xf32, #tpu.memory_space<hbm>>
    %dma_wait3A_897 = tpu.memref_squeeze %dma_wait3A_896 : memref<1x1000000xf32, #tpu.memory_space<hbm>> -> memref<1000000xf32, #tpu.memory_space<hbm>>
    %dma_wait3A_898 = arith.constant 0 : i32
    %dma_wait3A_899 = tpu.memref_slice %dma_wait3A_897[%dma_wait3A_898] : memref<1000000xf32, #tpu.memory_space<hbm>> -> memref<1000000xf32, #tpu.memory_space<hbm>>
    tpu.wait_indirect_dma semaphore(%arg11 : memref<!tpu.dma_semaphore, #tpu.memory_space<semaphore_mem>>) src(%dma_wait3A_899 : memref<1000000xf32, #tpu.memory_space<hbm>>) dst(%dma_wait3A_892 : memref<512xf32, #tpu.memory_space<vmem>>)
    %dma_wait3A_900 = arith.constant 0 : i32
    %dma_wait3A_901 = arith.constant 6144 : i32
    %dma_wait3A_902 = tpu.memref_slice %arg7[%dma_wait3A_901] : memref<13312xf32, #tpu.memory_space<vmem>> -> memref<512xf32, #tpu.memory_space<vmem>>
    %dma_wait3A_903 = arith.constant 6144 : i32
    %dma_wait3A_904 = tpu.memref_slice %arg6[%dma_wait3A_903] : memref<13312xi32, #tpu.memory_space<vmem>> -> memref<512xi32, #tpu.memory_space<vmem>>
    %dma_wait3A_905 = arith.constant 0 : i32
    %dma_wait3A_906 = tpu.memref_slice %arg3[%dma_wait3A_900, %dma_wait3A_905] : memref<1x1000000xf32, #tpu.memory_space<hbm>> -> memref<1x1000000xf32, #tpu.memory_space<hbm>>
    %dma_wait3A_907 = tpu.memref_squeeze %dma_wait3A_906 : memref<1x1000000xf32, #tpu.memory_space<hbm>> -> memref<1000000xf32, #tpu.memory_space<hbm>>
    %dma_wait3A_908 = arith.constant 0 : i32
    %dma_wait3A_909 = tpu.memref_slice %dma_wait3A_907[%dma_wait3A_908] : memref<1000000xf32, #tpu.memory_space<hbm>> -> memref<1000000xf32, #tpu.memory_space<hbm>>
    tpu.wait_indirect_dma semaphore(%arg11 : memref<!tpu.dma_semaphore, #tpu.memory_space<semaphore_mem>>) src(%dma_wait3A_909 : memref<1000000xf32, #tpu.memory_space<hbm>>) dst(%dma_wait3A_902 : memref<512xf32, #tpu.memory_space<vmem>>)
    %dma_wait3A_910 = arith.constant 0 : i32
    %dma_wait3A_911 = arith.constant 6656 : i32
    %dma_wait3A_912 = tpu.memref_slice %arg7[%dma_wait3A_911] : memref<13312xf32, #tpu.memory_space<vmem>> -> memref<512xf32, #tpu.memory_space<vmem>>
    %dma_wait3A_913 = arith.constant 6656 : i32
    %dma_wait3A_914 = tpu.memref_slice %arg6[%dma_wait3A_913] : memref<13312xi32, #tpu.memory_space<vmem>> -> memref<512xi32, #tpu.memory_space<vmem>>
    %dma_wait3A_915 = arith.constant 0 : i32
    %dma_wait3A_916 = tpu.memref_slice %arg3[%dma_wait3A_910, %dma_wait3A_915] : memref<1x1000000xf32, #tpu.memory_space<hbm>> -> memref<1x1000000xf32, #tpu.memory_space<hbm>>
    %dma_wait3A_917 = tpu.memref_squeeze %dma_wait3A_916 : memref<1x1000000xf32, #tpu.memory_space<hbm>> -> memref<1000000xf32, #tpu.memory_space<hbm>>
    %dma_wait3A_918 = arith.constant 0 : i32
    %dma_wait3A_919 = tpu.memref_slice %dma_wait3A_917[%dma_wait3A_918] : memref<1000000xf32, #tpu.memory_space<hbm>> -> memref<1000000xf32, #tpu.memory_space<hbm>>
    tpu.wait_indirect_dma semaphore(%arg11 : memref<!tpu.dma_semaphore, #tpu.memory_space<semaphore_mem>>) src(%dma_wait3A_919 : memref<1000000xf32, #tpu.memory_space<hbm>>) dst(%dma_wait3A_912 : memref<512xf32, #tpu.memory_space<vmem>>)
    %dma_wait3A_920 = arith.constant 0 : i32
    %dma_wait3A_921 = arith.constant 7168 : i32
    %dma_wait3A_922 = tpu.memref_slice %arg7[%dma_wait3A_921] : memref<13312xf32, #tpu.memory_space<vmem>> -> memref<512xf32, #tpu.memory_space<vmem>>
    %dma_wait3A_923 = arith.constant 7168 : i32
    %dma_wait3A_924 = tpu.memref_slice %arg6[%dma_wait3A_923] : memref<13312xi32, #tpu.memory_space<vmem>> -> memref<512xi32, #tpu.memory_space<vmem>>
    %dma_wait3A_925 = arith.constant 0 : i32
    %dma_wait3A_926 = tpu.memref_slice %arg3[%dma_wait3A_920, %dma_wait3A_925] : memref<1x1000000xf32, #tpu.memory_space<hbm>> -> memref<1x1000000xf32, #tpu.memory_space<hbm>>
    %dma_wait3A_927 = tpu.memref_squeeze %dma_wait3A_926 : memref<1x1000000xf32, #tpu.memory_space<hbm>> -> memref<1000000xf32, #tpu.memory_space<hbm>>
    %dma_wait3A_928 = arith.constant 0 : i32
    %dma_wait3A_929 = tpu.memref_slice %dma_wait3A_927[%dma_wait3A_928] : memref<1000000xf32, #tpu.memory_space<hbm>> -> memref<1000000xf32, #tpu.memory_space<hbm>>
    tpu.wait_indirect_dma semaphore(%arg11 : memref<!tpu.dma_semaphore, #tpu.memory_space<semaphore_mem>>) src(%dma_wait3A_929 : memref<1000000xf32, #tpu.memory_space<hbm>>) dst(%dma_wait3A_922 : memref<512xf32, #tpu.memory_space<vmem>>)
    %dma_wait3A_930 = arith.constant 0 : i32
    %dma_wait3A_931 = arith.constant 7680 : i32
    %dma_wait3A_932 = tpu.memref_slice %arg7[%dma_wait3A_931] : memref<13312xf32, #tpu.memory_space<vmem>> -> memref<512xf32, #tpu.memory_space<vmem>>
    %dma_wait3A_933 = arith.constant 7680 : i32
    %dma_wait3A_934 = tpu.memref_slice %arg6[%dma_wait3A_933] : memref<13312xi32, #tpu.memory_space<vmem>> -> memref<512xi32, #tpu.memory_space<vmem>>
    %dma_wait3A_935 = arith.constant 0 : i32
    %dma_wait3A_936 = tpu.memref_slice %arg3[%dma_wait3A_930, %dma_wait3A_935] : memref<1x1000000xf32, #tpu.memory_space<hbm>> -> memref<1x1000000xf32, #tpu.memory_space<hbm>>
    %dma_wait3A_937 = tpu.memref_squeeze %dma_wait3A_936 : memref<1x1000000xf32, #tpu.memory_space<hbm>> -> memref<1000000xf32, #tpu.memory_space<hbm>>
    %dma_wait3A_938 = arith.constant 0 : i32
    %dma_wait3A_939 = tpu.memref_slice %dma_wait3A_937[%dma_wait3A_938] : memref<1000000xf32, #tpu.memory_space<hbm>> -> memref<1000000xf32, #tpu.memory_space<hbm>>
    tpu.wait_indirect_dma semaphore(%arg11 : memref<!tpu.dma_semaphore, #tpu.memory_space<semaphore_mem>>) src(%dma_wait3A_939 : memref<1000000xf32, #tpu.memory_space<hbm>>) dst(%dma_wait3A_932 : memref<512xf32, #tpu.memory_space<vmem>>)
    %dma_wait3A_940 = arith.constant 0 : i32
    %dma_wait3A_941 = arith.constant 8192 : i32
    %dma_wait3A_942 = tpu.memref_slice %arg7[%dma_wait3A_941] : memref<13312xf32, #tpu.memory_space<vmem>> -> memref<512xf32, #tpu.memory_space<vmem>>
    %dma_wait3A_943 = arith.constant 8192 : i32
    %dma_wait3A_944 = tpu.memref_slice %arg6[%dma_wait3A_943] : memref<13312xi32, #tpu.memory_space<vmem>> -> memref<512xi32, #tpu.memory_space<vmem>>
    %dma_wait3A_945 = arith.constant 0 : i32
    %dma_wait3A_946 = tpu.memref_slice %arg3[%dma_wait3A_940, %dma_wait3A_945] : memref<1x1000000xf32, #tpu.memory_space<hbm>> -> memref<1x1000000xf32, #tpu.memory_space<hbm>>
    %dma_wait3A_947 = tpu.memref_squeeze %dma_wait3A_946 : memref<1x1000000xf32, #tpu.memory_space<hbm>> -> memref<1000000xf32, #tpu.memory_space<hbm>>
    %dma_wait3A_948 = arith.constant 0 : i32
    %dma_wait3A_949 = tpu.memref_slice %dma_wait3A_947[%dma_wait3A_948] : memref<1000000xf32, #tpu.memory_space<hbm>> -> memref<1000000xf32, #tpu.memory_space<hbm>>
    tpu.wait_indirect_dma semaphore(%arg11 : memref<!tpu.dma_semaphore, #tpu.memory_space<semaphore_mem>>) src(%dma_wait3A_949 : memref<1000000xf32, #tpu.memory_space<hbm>>) dst(%dma_wait3A_942 : memref<512xf32, #tpu.memory_space<vmem>>)
    %dma_wait3A_950 = arith.constant 0 : i32
    %dma_wait3A_951 = arith.constant 8704 : i32
    %dma_wait3A_952 = tpu.memref_slice %arg7[%dma_wait3A_951] : memref<13312xf32, #tpu.memory_space<vmem>> -> memref<512xf32, #tpu.memory_space<vmem>>
    %dma_wait3A_953 = arith.constant 8704 : i32
    %dma_wait3A_954 = tpu.memref_slice %arg6[%dma_wait3A_953] : memref<13312xi32, #tpu.memory_space<vmem>> -> memref<512xi32, #tpu.memory_space<vmem>>
    %dma_wait3A_955 = arith.constant 0 : i32
    %dma_wait3A_956 = tpu.memref_slice %arg3[%dma_wait3A_950, %dma_wait3A_955] : memref<1x1000000xf32, #tpu.memory_space<hbm>> -> memref<1x1000000xf32, #tpu.memory_space<hbm>>
    %dma_wait3A_957 = tpu.memref_squeeze %dma_wait3A_956 : memref<1x1000000xf32, #tpu.memory_space<hbm>> -> memref<1000000xf32, #tpu.memory_space<hbm>>
    %dma_wait3A_958 = arith.constant 0 : i32
    %dma_wait3A_959 = tpu.memref_slice %dma_wait3A_957[%dma_wait3A_958] : memref<1000000xf32, #tpu.memory_space<hbm>> -> memref<1000000xf32, #tpu.memory_space<hbm>>
    tpu.wait_indirect_dma semaphore(%arg11 : memref<!tpu.dma_semaphore, #tpu.memory_space<semaphore_mem>>) src(%dma_wait3A_959 : memref<1000000xf32, #tpu.memory_space<hbm>>) dst(%dma_wait3A_952 : memref<512xf32, #tpu.memory_space<vmem>>)
    %dma_wait3A_960 = arith.constant 0 : i32
    %dma_wait3A_961 = arith.constant 9216 : i32
    %dma_wait3A_962 = tpu.memref_slice %arg7[%dma_wait3A_961] : memref<13312xf32, #tpu.memory_space<vmem>> -> memref<512xf32, #tpu.memory_space<vmem>>
    %dma_wait3A_963 = arith.constant 9216 : i32
    %dma_wait3A_964 = tpu.memref_slice %arg6[%dma_wait3A_963] : memref<13312xi32, #tpu.memory_space<vmem>> -> memref<512xi32, #tpu.memory_space<vmem>>
    %dma_wait3A_965 = arith.constant 0 : i32
    %dma_wait3A_966 = tpu.memref_slice %arg3[%dma_wait3A_960, %dma_wait3A_965] : memref<1x1000000xf32, #tpu.memory_space<hbm>> -> memref<1x1000000xf32, #tpu.memory_space<hbm>>
    %dma_wait3A_967 = tpu.memref_squeeze %dma_wait3A_966 : memref<1x1000000xf32, #tpu.memory_space<hbm>> -> memref<1000000xf32, #tpu.memory_space<hbm>>
    %dma_wait3A_968 = arith.constant 0 : i32
    %dma_wait3A_969 = tpu.memref_slice %dma_wait3A_967[%dma_wait3A_968] : memref<1000000xf32, #tpu.memory_space<hbm>> -> memref<1000000xf32, #tpu.memory_space<hbm>>
    tpu.wait_indirect_dma semaphore(%arg11 : memref<!tpu.dma_semaphore, #tpu.memory_space<semaphore_mem>>) src(%dma_wait3A_969 : memref<1000000xf32, #tpu.memory_space<hbm>>) dst(%dma_wait3A_962 : memref<512xf32, #tpu.memory_space<vmem>>)
    %dma_wait3A_970 = arith.constant 0 : i32
    %dma_wait3A_971 = arith.constant 9728 : i32
    %dma_wait3A_972 = tpu.memref_slice %arg7[%dma_wait3A_971] : memref<13312xf32, #tpu.memory_space<vmem>> -> memref<512xf32, #tpu.memory_space<vmem>>
    %dma_wait3A_973 = arith.constant 9728 : i32
    %dma_wait3A_974 = tpu.memref_slice %arg6[%dma_wait3A_973] : memref<13312xi32, #tpu.memory_space<vmem>> -> memref<512xi32, #tpu.memory_space<vmem>>
    %dma_wait3A_975 = arith.constant 0 : i32
    %dma_wait3A_976 = tpu.memref_slice %arg3[%dma_wait3A_970, %dma_wait3A_975] : memref<1x1000000xf32, #tpu.memory_space<hbm>> -> memref<1x1000000xf32, #tpu.memory_space<hbm>>
    %dma_wait3A_977 = tpu.memref_squeeze %dma_wait3A_976 : memref<1x1000000xf32, #tpu.memory_space<hbm>> -> memref<1000000xf32, #tpu.memory_space<hbm>>
    %dma_wait3A_978 = arith.constant 0 : i32
    %dma_wait3A_979 = tpu.memref_slice %dma_wait3A_977[%dma_wait3A_978] : memref<1000000xf32, #tpu.memory_space<hbm>> -> memref<1000000xf32, #tpu.memory_space<hbm>>
    tpu.wait_indirect_dma semaphore(%arg11 : memref<!tpu.dma_semaphore, #tpu.memory_space<semaphore_mem>>) src(%dma_wait3A_979 : memref<1000000xf32, #tpu.memory_space<hbm>>) dst(%dma_wait3A_972 : memref<512xf32, #tpu.memory_space<vmem>>)
    %dma_wait3A_980 = arith.constant 0 : i32
    %dma_wait3A_981 = arith.constant 10240 : i32
    %dma_wait3A_982 = tpu.memref_slice %arg7[%dma_wait3A_981] : memref<13312xf32, #tpu.memory_space<vmem>> -> memref<512xf32, #tpu.memory_space<vmem>>
    %dma_wait3A_983 = arith.constant 10240 : i32
    %dma_wait3A_984 = tpu.memref_slice %arg6[%dma_wait3A_983] : memref<13312xi32, #tpu.memory_space<vmem>> -> memref<512xi32, #tpu.memory_space<vmem>>
    %dma_wait3A_985 = arith.constant 0 : i32
    %dma_wait3A_986 = tpu.memref_slice %arg3[%dma_wait3A_980, %dma_wait3A_985] : memref<1x1000000xf32, #tpu.memory_space<hbm>> -> memref<1x1000000xf32, #tpu.memory_space<hbm>>
    %dma_wait3A_987 = tpu.memref_squeeze %dma_wait3A_986 : memref<1x1000000xf32, #tpu.memory_space<hbm>> -> memref<1000000xf32, #tpu.memory_space<hbm>>
    %dma_wait3A_988 = arith.constant 0 : i32
    %dma_wait3A_989 = tpu.memref_slice %dma_wait3A_987[%dma_wait3A_988] : memref<1000000xf32, #tpu.memory_space<hbm>> -> memref<1000000xf32, #tpu.memory_space<hbm>>
    tpu.wait_indirect_dma semaphore(%arg11 : memref<!tpu.dma_semaphore, #tpu.memory_space<semaphore_mem>>) src(%dma_wait3A_989 : memref<1000000xf32, #tpu.memory_space<hbm>>) dst(%dma_wait3A_982 : memref<512xf32, #tpu.memory_space<vmem>>)
    %dma_wait3A_990 = arith.constant 0 : i32
    %dma_wait3A_991 = arith.constant 10752 : i32
    %dma_wait3A_992 = tpu.memref_slice %arg7[%dma_wait3A_991] : memref<13312xf32, #tpu.memory_space<vmem>> -> memref<512xf32, #tpu.memory_space<vmem>>
    %dma_wait3A_993 = arith.constant 10752 : i32
    %dma_wait3A_994 = tpu.memref_slice %arg6[%dma_wait3A_993] : memref<13312xi32, #tpu.memory_space<vmem>> -> memref<512xi32, #tpu.memory_space<vmem>>
    %dma_wait3A_995 = arith.constant 0 : i32
    %dma_wait3A_996 = tpu.memref_slice %arg3[%dma_wait3A_990, %dma_wait3A_995] : memref<1x1000000xf32, #tpu.memory_space<hbm>> -> memref<1x1000000xf32, #tpu.memory_space<hbm>>
    %dma_wait3A_997 = tpu.memref_squeeze %dma_wait3A_996 : memref<1x1000000xf32, #tpu.memory_space<hbm>> -> memref<1000000xf32, #tpu.memory_space<hbm>>
    %dma_wait3A_998 = arith.constant 0 : i32
    %dma_wait3A_999 = tpu.memref_slice %dma_wait3A_997[%dma_wait3A_998] : memref<1000000xf32, #tpu.memory_space<hbm>> -> memref<1000000xf32, #tpu.memory_space<hbm>>
    tpu.wait_indirect_dma semaphore(%arg11 : memref<!tpu.dma_semaphore, #tpu.memory_space<semaphore_mem>>) src(%dma_wait3A_999 : memref<1000000xf32, #tpu.memory_space<hbm>>) dst(%dma_wait3A_992 : memref<512xf32, #tpu.memory_space<vmem>>)
    %dma_wait3A_1000 = arith.constant 0 : i32
    %dma_wait3A_1001 = arith.constant 11264 : i32
    %dma_wait3A_1002 = tpu.memref_slice %arg7[%dma_wait3A_1001] : memref<13312xf32, #tpu.memory_space<vmem>> -> memref<512xf32, #tpu.memory_space<vmem>>
    %dma_wait3A_1003 = arith.constant 11264 : i32
    %dma_wait3A_1004 = tpu.memref_slice %arg6[%dma_wait3A_1003] : memref<13312xi32, #tpu.memory_space<vmem>> -> memref<512xi32, #tpu.memory_space<vmem>>
    %dma_wait3A_1005 = arith.constant 0 : i32
    %dma_wait3A_1006 = tpu.memref_slice %arg3[%dma_wait3A_1000, %dma_wait3A_1005] : memref<1x1000000xf32, #tpu.memory_space<hbm>> -> memref<1x1000000xf32, #tpu.memory_space<hbm>>
    %dma_wait3A_1007 = tpu.memref_squeeze %dma_wait3A_1006 : memref<1x1000000xf32, #tpu.memory_space<hbm>> -> memref<1000000xf32, #tpu.memory_space<hbm>>
    %dma_wait3A_1008 = arith.constant 0 : i32
    %dma_wait3A_1009 = tpu.memref_slice %dma_wait3A_1007[%dma_wait3A_1008] : memref<1000000xf32, #tpu.memory_space<hbm>> -> memref<1000000xf32, #tpu.memory_space<hbm>>
    tpu.wait_indirect_dma semaphore(%arg11 : memref<!tpu.dma_semaphore, #tpu.memory_space<semaphore_mem>>) src(%dma_wait3A_1009 : memref<1000000xf32, #tpu.memory_space<hbm>>) dst(%dma_wait3A_1002 : memref<512xf32, #tpu.memory_space<vmem>>)
    %dma_wait3A_1010 = arith.constant 0 : i32
    %dma_wait3A_1011 = arith.constant 11776 : i32
    %dma_wait3A_1012 = tpu.memref_slice %arg7[%dma_wait3A_1011] : memref<13312xf32, #tpu.memory_space<vmem>> -> memref<512xf32, #tpu.memory_space<vmem>>
    %dma_wait3A_1013 = arith.constant 11776 : i32
    %dma_wait3A_1014 = tpu.memref_slice %arg6[%dma_wait3A_1013] : memref<13312xi32, #tpu.memory_space<vmem>> -> memref<512xi32, #tpu.memory_space<vmem>>
    %dma_wait3A_1015 = arith.constant 0 : i32
    %dma_wait3A_1016 = tpu.memref_slice %arg3[%dma_wait3A_1010, %dma_wait3A_1015] : memref<1x1000000xf32, #tpu.memory_space<hbm>> -> memref<1x1000000xf32, #tpu.memory_space<hbm>>
    %dma_wait3A_1017 = tpu.memref_squeeze %dma_wait3A_1016 : memref<1x1000000xf32, #tpu.memory_space<hbm>> -> memref<1000000xf32, #tpu.memory_space<hbm>>
    %dma_wait3A_1018 = arith.constant 0 : i32
    %dma_wait3A_1019 = tpu.memref_slice %dma_wait3A_1017[%dma_wait3A_1018] : memref<1000000xf32, #tpu.memory_space<hbm>> -> memref<1000000xf32, #tpu.memory_space<hbm>>
    tpu.wait_indirect_dma semaphore(%arg11 : memref<!tpu.dma_semaphore, #tpu.memory_space<semaphore_mem>>) src(%dma_wait3A_1019 : memref<1000000xf32, #tpu.memory_space<hbm>>) dst(%dma_wait3A_1012 : memref<512xf32, #tpu.memory_space<vmem>>)
    %dma_wait3A_1020 = arith.constant 0 : i32
    %dma_wait3A_1021 = arith.constant 12288 : i32
    %dma_wait3A_1022 = tpu.memref_slice %arg7[%dma_wait3A_1021] : memref<13312xf32, #tpu.memory_space<vmem>> -> memref<512xf32, #tpu.memory_space<vmem>>
    %dma_wait3A_1023 = arith.constant 12288 : i32
    %dma_wait3A_1024 = tpu.memref_slice %arg6[%dma_wait3A_1023] : memref<13312xi32, #tpu.memory_space<vmem>> -> memref<512xi32, #tpu.memory_space<vmem>>
    %dma_wait3A_1025 = arith.constant 0 : i32
    %dma_wait3A_1026 = tpu.memref_slice %arg3[%dma_wait3A_1020, %dma_wait3A_1025] : memref<1x1000000xf32, #tpu.memory_space<hbm>> -> memref<1x1000000xf32, #tpu.memory_space<hbm>>
    %dma_wait3A_1027 = tpu.memref_squeeze %dma_wait3A_1026 : memref<1x1000000xf32, #tpu.memory_space<hbm>> -> memref<1000000xf32, #tpu.memory_space<hbm>>
    %dma_wait3A_1028 = arith.constant 0 : i32
    %dma_wait3A_1029 = tpu.memref_slice %dma_wait3A_1027[%dma_wait3A_1028] : memref<1000000xf32, #tpu.memory_space<hbm>> -> memref<1000000xf32, #tpu.memory_space<hbm>>
    tpu.wait_indirect_dma semaphore(%arg11 : memref<!tpu.dma_semaphore, #tpu.memory_space<semaphore_mem>>) src(%dma_wait3A_1029 : memref<1000000xf32, #tpu.memory_space<hbm>>) dst(%dma_wait3A_1022 : memref<512xf32, #tpu.memory_space<vmem>>)
    %dma_wait3A_1030 = arith.constant 0 : i32
    %dma_wait3A_1031 = arith.constant 12800 : i32
    %dma_wait3A_1032 = tpu.memref_slice %arg7[%dma_wait3A_1031] : memref<13312xf32, #tpu.memory_space<vmem>> -> memref<512xf32, #tpu.memory_space<vmem>>
    %dma_wait3A_1033 = arith.constant 12800 : i32
    %dma_wait3A_1034 = tpu.memref_slice %arg6[%dma_wait3A_1033] : memref<13312xi32, #tpu.memory_space<vmem>> -> memref<512xi32, #tpu.memory_space<vmem>>
    %dma_wait3A_1035 = arith.constant 0 : i32
    %dma_wait3A_1036 = tpu.memref_slice %arg3[%dma_wait3A_1030, %dma_wait3A_1035] : memref<1x1000000xf32, #tpu.memory_space<hbm>> -> memref<1x1000000xf32, #tpu.memory_space<hbm>>
    %dma_wait3A_1037 = tpu.memref_squeeze %dma_wait3A_1036 : memref<1x1000000xf32, #tpu.memory_space<hbm>> -> memref<1000000xf32, #tpu.memory_space<hbm>>
    %dma_wait3A_1038 = arith.constant 0 : i32
    %dma_wait3A_1039 = tpu.memref_slice %dma_wait3A_1037[%dma_wait3A_1038] : memref<1000000xf32, #tpu.memory_space<hbm>> -> memref<1000000xf32, #tpu.memory_space<hbm>>
    tpu.wait_indirect_dma semaphore(%arg11 : memref<!tpu.dma_semaphore, #tpu.memory_space<semaphore_mem>>) src(%dma_wait3A_1039 : memref<1000000xf32, #tpu.memory_space<hbm>>) dst(%dma_wait3A_1032 : memref<512xf32, #tpu.memory_space<vmem>>)
    %broadcast_in_dim3A = arith.constant 0 : i32
    %broadcast_in_dim3A_1040 = vector.broadcast %broadcast_in_dim3A : i32 to vector<16xi32>
    %gather3A = tpu.vector_load_idx %arg9[%broadcast_in_dim3A_1040] : memref<1xf32, #tpu.memory_space<vmem>>[vector<16xi32>], vector<16xf32>,
    %scan3A = arith.constant 0 : i32
    %scan3A_1041 = arith.constant 0 : i32
    %scan3A_1042 = arith.constant 32 : i32
    %scan3A_1043 = arith.addi %scan3A_1041, %scan3A_1042 : i32
    %scan3A_1044 = arith.constant 1 : i32
    scf.for %scan3A_1046 = %scan3A_1041 to %scan3A_1043 step %scan3A_1044  : i32 {
      %mul3A_1047 = arith.constant 16 : i32
      %mul3A_1048 = arith.muli %scan3A_1046, %mul3A_1047 : i32
      %add3A_1049 = arith.constant 0 : i32
      %add3A_1050 = arith.addi %add3A_1049, %mul3A_1048 : i32
      %get3A = arith.index_cast %add3A_1050 : i32 to index
      %get3A_1051 = tpu.vector_load %arg7[%get3A] {strides = array<i32>} : memref<13312xf32, #tpu.memory_space<vmem>>, vector<16xf32>,
      %add3A_1052 = arith.addf %gather3A, %get3A_1051 : vector<16xf32>
      %add3A_1053 = arith.constant 512 : i32
      %add3A_1054 = arith.addi %add3A_1053, %mul3A_1048 : i32
      %get3A_1055 = arith.index_cast %add3A_1054 : i32 to index
      %get3A_1056 = tpu.vector_load %arg7[%get3A_1055] {strides = array<i32>} : memref<13312xf32, #tpu.memory_space<vmem>>, vector<16xf32>,
      %add3A_1057 = arith.addf %add3A_1052, %get3A_1056 : vector<16xf32>
      %add3A_1058 = arith.constant 1024 : i32
      %add3A_1059 = arith.addi %add3A_1058, %mul3A_1048 : i32
      %get3A_1060 = arith.index_cast %add3A_1059 : i32 to index
      %get3A_1061 = tpu.vector_load %arg7[%get3A_1060] {strides = array<i32>} : memref<13312xf32, #tpu.memory_space<vmem>>, vector<16xf32>,
      %add3A_1062 = arith.addf %add3A_1057, %get3A_1061 : vector<16xf32>
      %add3A_1063 = arith.constant 1536 : i32
      %add3A_1064 = arith.addi %add3A_1063, %mul3A_1048 : i32
      %get3A_1065 = arith.index_cast %add3A_1064 : i32 to index
      %get3A_1066 = tpu.vector_load %arg7[%get3A_1065] {strides = array<i32>} : memref<13312xf32, #tpu.memory_space<vmem>>, vector<16xf32>,
      %add3A_1067 = arith.addf %add3A_1062, %get3A_1066 : vector<16xf32>
      %add3A_1068 = arith.constant 2048 : i32
      %add3A_1069 = arith.addi %add3A_1068, %mul3A_1048 : i32
      %get3A_1070 = arith.index_cast %add3A_1069 : i32 to index
      %get3A_1071 = tpu.vector_load %arg7[%get3A_1070] {strides = array<i32>} : memref<13312xf32, #tpu.memory_space<vmem>>, vector<16xf32>,
      %add3A_1072 = arith.addf %add3A_1067, %get3A_1071 : vector<16xf32>
      %add3A_1073 = arith.constant 2560 : i32
      %add3A_1074 = arith.addi %add3A_1073, %mul3A_1048 : i32
      %get3A_1075 = arith.index_cast %add3A_1074 : i32 to index
      %get3A_1076 = tpu.vector_load %arg7[%get3A_1075] {strides = array<i32>} : memref<13312xf32, #tpu.memory_space<vmem>>, vector<16xf32>,
      %add3A_1077 = arith.addf %add3A_1072, %get3A_1076 : vector<16xf32>
      %add3A_1078 = arith.constant 3072 : i32
      %add3A_1079 = arith.addi %add3A_1078, %mul3A_1048 : i32
      %get3A_1080 = arith.index_cast %add3A_1079 : i32 to index
      %get3A_1081 = tpu.vector_load %arg7[%get3A_1080] {strides = array<i32>} : memref<13312xf32, #tpu.memory_space<vmem>>, vector<16xf32>,
      %add3A_1082 = arith.addf %add3A_1077, %get3A_1081 : vector<16xf32>
      %add3A_1083 = arith.constant 3584 : i32
      %add3A_1084 = arith.addi %add3A_1083, %mul3A_1048 : i32
      %get3A_1085 = arith.index_cast %add3A_1084 : i32 to index
      %get3A_1086 = tpu.vector_load %arg7[%get3A_1085] {strides = array<i32>} : memref<13312xf32, #tpu.memory_space<vmem>>, vector<16xf32>,
      %add3A_1087 = arith.addf %add3A_1082, %get3A_1086 : vector<16xf32>
      %add3A_1088 = arith.constant 4096 : i32
      %add3A_1089 = arith.addi %add3A_1088, %mul3A_1048 : i32
      %get3A_1090 = arith.index_cast %add3A_1089 : i32 to index
      %get3A_1091 = tpu.vector_load %arg7[%get3A_1090] {strides = array<i32>} : memref<13312xf32, #tpu.memory_space<vmem>>, vector<16xf32>,
      %add3A_1092 = arith.addf %add3A_1087, %get3A_1091 : vector<16xf32>
      %add3A_1093 = arith.constant 4608 : i32
      %add3A_1094 = arith.addi %add3A_1093, %mul3A_1048 : i32
      %get3A_1095 = arith.index_cast %add3A_1094 : i32 to index
      %get3A_1096 = tpu.vector_load %arg7[%get3A_1095] {strides = array<i32>} : memref<13312xf32, #tpu.memory_space<vmem>>, vector<16xf32>,
      %add3A_1097 = arith.addf %add3A_1092, %get3A_1096 : vector<16xf32>
      %add3A_1098 = arith.constant 5120 : i32
      %add3A_1099 = arith.addi %add3A_1098, %mul3A_1048 : i32
      %get3A_1100 = arith.index_cast %add3A_1099 : i32 to index
      %get3A_1101 = tpu.vector_load %arg7[%get3A_1100] {strides = array<i32>} : memref<13312xf32, #tpu.memory_space<vmem>>, vector<16xf32>,
      %add3A_1102 = arith.addf %add3A_1097, %get3A_1101 : vector<16xf32>
      %add3A_1103 = arith.constant 5632 : i32
      %add3A_1104 = arith.addi %add3A_1103, %mul3A_1048 : i32
      %get3A_1105 = arith.index_cast %add3A_1104 : i32 to index
      %get3A_1106 = tpu.vector_load %arg7[%get3A_1105] {strides = array<i32>} : memref<13312xf32, #tpu.memory_space<vmem>>, vector<16xf32>,
      %add3A_1107 = arith.addf %add3A_1102, %get3A_1106 : vector<16xf32>
      %add3A_1108 = arith.constant 6144 : i32
      %add3A_1109 = arith.addi %add3A_1108, %mul3A_1048 : i32
      %get3A_1110 = arith.index_cast %add3A_1109 : i32 to index
      %get3A_1111 = tpu.vector_load %arg7[%get3A_1110] {strides = array<i32>} : memref<13312xf32, #tpu.memory_space<vmem>>, vector<16xf32>,
      %add3A_1112 = arith.addf %add3A_1107, %get3A_1111 : vector<16xf32>
      %add3A_1113 = arith.constant 6656 : i32
      %add3A_1114 = arith.addi %add3A_1113, %mul3A_1048 : i32
      %get3A_1115 = arith.index_cast %add3A_1114 : i32 to index
      %get3A_1116 = tpu.vector_load %arg7[%get3A_1115] {strides = array<i32>} : memref<13312xf32, #tpu.memory_space<vmem>>, vector<16xf32>,
      %add3A_1117 = arith.addf %add3A_1112, %get3A_1116 : vector<16xf32>
      %add3A_1118 = arith.constant 7168 : i32
      %add3A_1119 = arith.addi %add3A_1118, %mul3A_1048 : i32
      %get3A_1120 = arith.index_cast %add3A_1119 : i32 to index
      %get3A_1121 = tpu.vector_load %arg7[%get3A_1120] {strides = array<i32>} : memref<13312xf32, #tpu.memory_space<vmem>>, vector<16xf32>,
      %add3A_1122 = arith.addf %add3A_1117, %get3A_1121 : vector<16xf32>
      %add3A_1123 = arith.constant 7680 : i32
      %add3A_1124 = arith.addi %add3A_1123, %mul3A_1048 : i32
      %get3A_1125 = arith.index_cast %add3A_1124 : i32 to index
      %get3A_1126 = tpu.vector_load %arg7[%get3A_1125] {strides = array<i32>} : memref<13312xf32, #tpu.memory_space<vmem>>, vector<16xf32>,
      %add3A_1127 = arith.addf %add3A_1122, %get3A_1126 : vector<16xf32>
      %add3A_1128 = arith.constant 8192 : i32
      %add3A_1129 = arith.addi %add3A_1128, %mul3A_1048 : i32
      %get3A_1130 = arith.index_cast %add3A_1129 : i32 to index
      %get3A_1131 = tpu.vector_load %arg7[%get3A_1130] {strides = array<i32>} : memref<13312xf32, #tpu.memory_space<vmem>>, vector<16xf32>,
      %add3A_1132 = arith.addf %add3A_1127, %get3A_1131 : vector<16xf32>
      %add3A_1133 = arith.constant 8704 : i32
      %add3A_1134 = arith.addi %add3A_1133, %mul3A_1048 : i32
      %get3A_1135 = arith.index_cast %add3A_1134 : i32 to index
      %get3A_1136 = tpu.vector_load %arg7[%get3A_1135] {strides = array<i32>} : memref<13312xf32, #tpu.memory_space<vmem>>, vector<16xf32>,
      %add3A_1137 = arith.addf %add3A_1132, %get3A_1136 : vector<16xf32>
      %add3A_1138 = arith.constant 9216 : i32
      %add3A_1139 = arith.addi %add3A_1138, %mul3A_1048 : i32
      %get3A_1140 = arith.index_cast %add3A_1139 : i32 to index
      %get3A_1141 = tpu.vector_load %arg7[%get3A_1140] {strides = array<i32>} : memref<13312xf32, #tpu.memory_space<vmem>>, vector<16xf32>,
      %add3A_1142 = arith.addf %add3A_1137, %get3A_1141 : vector<16xf32>
      %add3A_1143 = arith.constant 9728 : i32
      %add3A_1144 = arith.addi %add3A_1143, %mul3A_1048 : i32
      %get3A_1145 = arith.index_cast %add3A_1144 : i32 to index
      %get3A_1146 = tpu.vector_load %arg7[%get3A_1145] {strides = array<i32>} : memref<13312xf32, #tpu.memory_space<vmem>>, vector<16xf32>,
      %add3A_1147 = arith.addf %add3A_1142, %get3A_1146 : vector<16xf32>
      %add3A_1148 = arith.constant 10240 : i32
      %add3A_1149 = arith.addi %add3A_1148, %mul3A_1048 : i32
      %get3A_1150 = arith.index_cast %add3A_1149 : i32 to index
      %get3A_1151 = tpu.vector_load %arg7[%get3A_1150] {strides = array<i32>} : memref<13312xf32, #tpu.memory_space<vmem>>, vector<16xf32>,
      %add3A_1152 = arith.addf %add3A_1147, %get3A_1151 : vector<16xf32>
      %add3A_1153 = arith.constant 10752 : i32
      %add3A_1154 = arith.addi %add3A_1153, %mul3A_1048 : i32
      %get3A_1155 = arith.index_cast %add3A_1154 : i32 to index
      %get3A_1156 = tpu.vector_load %arg7[%get3A_1155] {strides = array<i32>} : memref<13312xf32, #tpu.memory_space<vmem>>, vector<16xf32>,
      %add3A_1157 = arith.addf %add3A_1152, %get3A_1156 : vector<16xf32>
      %add3A_1158 = arith.constant 11264 : i32
      %add3A_1159 = arith.addi %add3A_1158, %mul3A_1048 : i32
      %get3A_1160 = arith.index_cast %add3A_1159 : i32 to index
      %get3A_1161 = tpu.vector_load %arg7[%get3A_1160] {strides = array<i32>} : memref<13312xf32, #tpu.memory_space<vmem>>, vector<16xf32>,
      %add3A_1162 = arith.addf %add3A_1157, %get3A_1161 : vector<16xf32>
      %add3A_1163 = arith.constant 11776 : i32
      %add3A_1164 = arith.addi %add3A_1163, %mul3A_1048 : i32
      %get3A_1165 = arith.index_cast %add3A_1164 : i32 to index
      %get3A_1166 = tpu.vector_load %arg7[%get3A_1165] {strides = array<i32>} : memref<13312xf32, #tpu.memory_space<vmem>>, vector<16xf32>,
      %add3A_1167 = arith.addf %add3A_1162, %get3A_1166 : vector<16xf32>
      %add3A_1168 = arith.constant 12288 : i32
      %add3A_1169 = arith.addi %add3A_1168, %mul3A_1048 : i32
      %get3A_1170 = arith.index_cast %add3A_1169 : i32 to index
      %get3A_1171 = tpu.vector_load %arg7[%get3A_1170] {strides = array<i32>} : memref<13312xf32, #tpu.memory_space<vmem>>, vector<16xf32>,
      %add3A_1172 = arith.addf %add3A_1167, %get3A_1171 : vector<16xf32>
      %add3A_1173 = arith.constant 12800 : i32
      %add3A_1174 = arith.addi %add3A_1173, %mul3A_1048 : i32
      %get3A_1175 = arith.index_cast %add3A_1174 : i32 to index
      %get3A_1176 = tpu.vector_load %arg7[%get3A_1175] {strides = array<i32>} : memref<13312xf32, #tpu.memory_space<vmem>>, vector<16xf32>,
      %add3A_1177 = arith.addf %add3A_1172, %get3A_1176 : vector<16xf32>
      %swap3A = arith.index_cast %mul3A_1048 : i32 to index
      %swap3A_1178 = tpu.vector_load %arg8[%swap3A] {strides = array<i32>} : memref<512xf32, #tpu.memory_space<vmem>>, vector<16xf32>,
      tpu.vector_store %arg8[%swap3A], %add3A_1177 {strides = array<i32>} : memref<512xf32, #tpu.memory_space<vmem>>, vector<16xf32>,
    }
    %scan3A_1045 = arith.constant 32 : i32
    "tpu.region"() ({
      %run_scoped3A = tpu.sem_alloc : memref<!tpu.dma_semaphore, #tpu.memory_space<semaphore_mem>>
      %dma_start3A_1046 = tpu.memref_slice %arg5[%mul3A_2] : memref<16384xf32, #tpu.memory_space<hbm>> -> memref<512xf32, #tpu.memory_space<hbm>>
      %dma_start3A_1047 = tpu.memref_slice %arg5[%mul3A_2] : memref<16384xf32, #tpu.memory_space<hbm>> -> memref<512xf32, #tpu.memory_space<hbm>>
      tpu.enqueue_dma source(%arg8 : memref<512xf32, #tpu.memory_space<vmem>>) target(%dma_start3A_1047 : memref<512xf32, #tpu.memory_space<hbm>>) target_semaphore(%run_scoped3A : memref<!tpu.dma_semaphore, #tpu.memory_space<semaphore_mem>>)
      %dma_wait3A_1048 = tpu.memref_slice %arg5[%mul3A_2] : memref<16384xf32, #tpu.memory_space<hbm>> -> memref<512xf32, #tpu.memory_space<hbm>>
      %dma_wait3A_1049 = tpu.memref_slice %arg5[%mul3A_2] : memref<16384xf32, #tpu.memory_space<hbm>> -> memref<512xf32, #tpu.memory_space<hbm>>
      tpu.wait_dma2 semaphore(%run_scoped3A : memref<!tpu.dma_semaphore, #tpu.memory_space<semaphore_mem>>) src(%arg8 : memref<512xf32, #tpu.memory_space<vmem>>) dst(%dma_wait3A_1049 : memref<512xf32, #tpu.memory_space<hbm>>)
      tpu.yield
    }) : () -> ()
    return
  }
}

</mosaic_0001>

<sc_bundles>
// kernel: kernel.3.cloned.1.call-start
scs
__scs_entry_jumppad:
0x0: {  	(pc) =	sbr.rel $0x88, $3  }
0x1: {  	(tag) =	ssettag $0x0;
	lr =	simm.s32 $0x1  }
0x2: {  	[smem:$0x3F9E] =	sst lr;
	_ =	strace $0xD0000000  }
0x3: {  	_ = 	snop  }
0x4: {  	_ = 	snop  }
0x5: {  	_ = 	snop  }
0x6: {  	_ = 	snop  }
0x7: {  	_ = 	snop  }
__scs_overlays_trampoline_lowered:
0x8: {  	[smem:$0x3FAD] =	sst s0  }
0x9: {  	[smem:$0x3FAE] =	sst s1  }
0xa: {  	[smem:$0x3FAF] =	sst s2  }
0xb: {  	[smem:$0x3FB0] =	sst s3  }
0xc: {  	[smem:$0x3FB1] =	sst s4  }
0xd: {  	[smem:$0x3FB2] =	sst s5  }
0xe: {  	[smem:$0x3FB3] =	sst s6  }
0xf: {  	[smem:$0x3FB4] =	sst s7  }
0x10: {  	[smem:$0x3FB5] =	sst s8  }
0x11: {  	[smem:$0x3FB6] =	sst s9;
	s0 =	simm.s32 @!p0 $0x0  }
0x12: {  	s1 =	sld [smem:$0x3F9C];
	s0 =	simm.s32 @p0 $0x1  }
0x13: {  	[smem:$0x3FB7] =	sst s0;
	s0 =	simm.s32 @!p1 $0x0  }
0x14: {  	s2 =	sld [smem:$0x3F9B];
	s0 =	simm.s32 @p1 $0x1  }
0x15: {  	[smem:$0x3FB8] =	sst s0;
	s0 =	simm.s32 @!p2 $0x0  }
0x16: {  	s3 =	sld [smem:$0x3FDB];
	s0 =	simm.s32 @p2 $0x1  }
0x17: {  	s4 =	simm.s32 $0x1BF5;
	[smem:$0x3FBA] =	sst s0  }
0x18: {  	s0 =	sld [smem:$0x3F9D];
	_ =	swait.ge [sflag:s4], $0x0  }
0x19: {  	s7 =	sld [smem:$0x3F9E]  }
0x1a: {  	s8 =	sadd.s32 $0xFFFFE003, lr  }
0x1b: {  	s9 =	sadd.s32 $0xFFFFFEF7, lr;
	s5 =	simm.s32 $0xFFFFFFFF;
	p2 =	slt.u32 s8, $0xFFFFF086  }
0x1c: {  	p1 =	slt.u32 s9, $0xF7A;
	s5 =	simm.s32 @!p2 $0x0  }
0x1d: {  	s5 =	simm.s32 @p1 $0x1;
	p0 =	seq.s32 s7, s2  }
0x1e: {  	s7 =	smul.u32 @!p0 $0xF7A, s2;
	p2 =	seq.s32 @!p0 s5, $0x0  }
0x1f: {  	s9 =	smul.u32 $0xF7A, s1;
	s8 =	simm.s32 @!p0 $0x1BF5;
	p2 =	por !p2, p0  }
0x20: {  	[sflag:s8] =	ssyncset.s32 @!p0 $0xFFFFF086;
	s6 =	sadd.s32 @!p0 s3, s7;
	s7 =	simm.s32 @!p0 $0x108  }
0x21: {  	s3 =	sadd.s32 s3, s9;
	s6 =	sadd.s32 @!p0 $0x88, s6;
	s7 =	simm.s32 @p2 $0x1082  }
0x22: {  	[simem:s7], [sflag:s8] =	dma.local @!p0 [hbm:s6], $0xF7A  }
0x23: {  	s9 =	sor.u32 $0xD0000000, s2;
	s6 =	simm.s32 $0x108;
	_ =	swait.ge @!p0 [sflag:s8], $0x0  }
0x24: {  	s3 =	sadd.s32 $0x88, s3;
	s6 =	simm.s32 @!p1 $0x1082;
	[sflag:s4] =	ssyncset.s32 $0xFFFFF086  }
0x25: {  	[simem:s6], [sflag:s4] =	dma.local [hbm:s3], $0xF7A  }
0x26: {  	[smem:$0x3F9E] =	sst s1;
	(tag) =	ssettag s2;
	_ =	strace s9  }
0x27: {  	s1 =	sld [smem:$0x3FAE]  }
0x28: {  	s2 =	sld [smem:$0x3FAF]  }
0x29: {  	s4 =	sld [smem:$0x3FB1]  }
0x2a: {  	p0 =	seq.s32 s5, $0x0;
	s5 =	sld [smem:$0x3FB2]  }
0x2b: {  	s6 =	sld [smem:$0x3FB3]  }
0x2c: {  	s7 =	sld [smem:$0x3FB4]  }
0x2d: {  	s3 =	simm.s32 $0x108;
	s8 =	sld [smem:$0x3FB5]  }
0x2e: {  	s3 =	simm.s32 @!p0 $0x1082;
	s9 =	sld [smem:$0x3FB6]  }
0x2f: {  	lr =	sadd.s32 s0, s3;
	s0 =	sld [smem:$0x3FAD]  }
0x30: {  	s3 =	sld [smem:$0x3FB0]  }
0x31: {  	[smem:$0x3FB9] =	sst s10  }
0x32: {  	s10 =	sld [smem:$0x3FB7];
	_ =	sdelay $0x3  }
0x33: {  	p0 =	seq.s32 s10, $0x1;
	s10 =	sld [smem:$0x3FB9];
	_ =	sdelay $0x3  }
0x34: {  	[smem:$0x3FB9] =	sst s10  }
0x35: {  	s10 =	sld [smem:$0x3FB8];
	_ =	sdelay $0x3  }
0x36: {  	p1 =	seq.s32 s10, $0x1;
	s10 =	sld [smem:$0x3FB9];
	_ =	sdelay $0x3  }
0x37: {  	[smem:$0x3FB9] =	sst s10  }
0x38: {  	s10 =	sld [smem:$0x3FBA]  }
0x39: {  	_ = 	snop;
	(pc) =	sbr.ind lr, $3  }
0x3a: {  	_ = 	snop  }
0x3b: {  	_ = 	snop  }
0x3c: {  	p2 =	seq.s32 s10, $0x1;
	s10 =	sld [smem:$0x3FB9]  }
0x3d: {  	_ =	shalt  }
0x3e: {  	_ =	shalt  }
0x3f: {  	_ =	shalt  }
0x40: {  	_ =	shalt  }
0x41: {  	_ =	shalt  }
0x42: {  	_ =	shalt  }
0x43: {  	_ =	shalt  }
0x44: {  	_ =	shalt  }
0x45: {  	_ =	shalt  }
0x46: {  	_ =	shalt  }
0x47: {  	_ =	shalt  }
0x48: {  	_ =	shalt  }
0x49: {  	_ =	shalt  }
0x4a: {  	_ =	shalt  }
0x4b: {  	_ =	shalt  }
0x4c: {  	_ =	shalt  }
0x4d: {  	_ =	shalt  }
0x4e: {  	_ =	shalt  }
0x4f: {  	_ =	shalt  }
0x50: {  	_ =	shalt  }
0x51: {  	_ =	shalt  }
0x52: {  	_ =	shalt  }
0x53: {  	_ =	shalt  }
0x54: {  	_ =	shalt  }
0x55: {  	_ =	shalt  }
0x56: {  	_ =	shalt  }
0x57: {  	_ =	shalt  }
0x58: {  	_ =	shalt  }
0x59: {  	_ =	shalt  }
0x5a: {  	_ =	shalt  }
0x5b: {  	_ =	shalt  }
0x5c: {  	_ =	shalt  }
0x5d: {  	_ =	shalt  }
0x5e: {  	_ =	shalt  }
0x5f: {  	_ =	shalt  }
0x60: {  	_ =	shalt  }
0x61: {  	_ =	shalt  }
0x62: {  	_ =	shalt  }
0x63: {  	_ =	shalt  }
0x64: {  	_ =	shalt  }
0x65: {  	_ =	shalt  }
0x66: {  	_ =	shalt  }
0x67: {  	_ =	shalt  }
0x68: {  	_ =	shalt  }
0x69: {  	_ =	shalt  }
0x6a: {  	_ =	shalt  }
0x6b: {  	_ =	shalt  }
0x6c: {  	_ =	shalt  }
0x6d: {  	_ =	shalt  }
0x6e: {  	_ =	shalt  }
0x6f: {  	_ =	shalt  }
0x70: {  	_ =	shalt  }
0x71: {  	_ =	shalt  }
0x72: {  	_ =	shalt  }
0x73: {  	_ =	shalt  }
0x74: {  	_ =	shalt  }
0x75: {  	_ =	shalt  }
0x76: {  	_ =	shalt  }
0x77: {  	_ =	shalt  }
0x78: {  	_ =	shalt  }
0x79: {  	_ =	shalt  }
0x7a: {  	_ =	shalt  }
0x7b: {  	_ =	shalt  }
0x7c: {  	_ =	shalt  }
0x7d: {  	_ =	shalt  }
0x7e: {  	_ =	shalt  }
0x7f: {  	_ =	shalt  }
0x80: {  	_ =	shalt  }
0x81: {  	_ =	shalt  }
0x82: {  	_ =	shalt  }
0x83: {  	_ =	shalt  }
0x84: {  	_ =	shalt  }
0x85: {  	_ =	shalt  }
0x86: {  	_ =	shalt  }
0x87: {  	_ =	shalt  }
.Lfunc_end0:
.L_simem_size_0:
called_computation_lowered:
.L_overlay_start_0:
0x88: {  	s2 =	sld [smem:$0x3FD9]  }
0x89: {  	s3 =	sld [smem:$0x3FFE];
	_ =	sdelay $0x1  }
0x8a: {  	s1 =	srdreg.scid  }
0x8b: {  	s0 =	sand.u32 $0x1, s1  }
0x8c: {  	s18 =	sshll.u32 s0, $0xA;
	s2 =	sadd.s32 s3, s2  }
0x8d: {  	s2 =	sadd.s32 s2, s18  }
0x8e: {  	[smem:$0x3FC5] =	sst s2  }
0x8f: {  	_ = 	snop  }
0x90: {  	s2 =	sld [smem:$0x3FC9]  }
0x91: {  	s19 =	sld [smem:$0x3FC8]  }
0x92: {  	s4 =	sld [smem:$0x3FC7]  }
0x93: {  	s5 =	sld [smem:$0x3FD0];
	(tm) =	ssettm $0x1  }
0x94: {  	s6 =	sld [smem:$0x3FFB];
	_ =	sdelay $0x3  }
0x95: {  	_ =	strace s6  }
0x96: {  	s6 =	sld [smem:$0x3FFC];
	_ =	sdelay $0x3  }
0x97: {  	_ =	strace s6  }
0x98: {  	s6 =	sld [smem:$0x3FFD];
	_ =	sdelay $0x3  }
0x99: {  	_ =	strace s6  }
0x9a: {  	_ =	strace $0x8FFFFFFF  }
0x9b: {  	s20 =	sld [smem:$0x3FDB];
	_ =	sdelay $0x1  }
0x9c: {  	s7 =	simm.s32 $_scs_section_size  }
0x9d: {  	s8 =	simm.s32 $_size__tile_overlayer_lowered;
	s9 =	simm.s32 $_tile_overlayer_lowered  }
0x9e: {  	s23 =	simm.s32 $0x1BFF;
	s22 =	sshll.u32 s9, $0x1;
	s6 =	sadd.s32 s7, s20  }
0x9f: {  	s10 =	simm.s32 $0x0;
	s21 =	sshll.u32 s8, $0x1;
	s8 =	sadd.s32 s22, s6  }
0xa0: {  	[timem:s10], [sflag:s23] =	dma.local [hbm:s8], s21  }
0xa1: {  	_ =	swait.ge [sflag:s23], s21  }
0xa2: {  	s7 =	ssub.s32 $0x0, s21;
	[sflag:s23] =	ssyncset.done $0x0  }
0xa3: {  	[sflag:s23] =	ssyncadd.s32 s7;
	_ =	sdelay $0x1  }
0xa4: {  	s24 =	simm.s32 $0x1B8B  }
0xa5: {  	_ =	swait.ge [sflag:s24], $0x1  }
0xa6: {  	[sflag:s24] =	ssyncset.done $0x0  }
0xa7: {  	s25 =	simm.s32 $0x1B8E;
	[sflag:s24] =	ssyncadd.s32 $0xFFFFFFFF  }
0xa8: {  	s26 =	simm.s32 $execute0_lowered;
	[smem:$0x3FD2] =	sst s25  }
0xa9: {  	s7 =	sshll.u32 s26, $0x1;
	_ =	strace $0x80000046;
	[dreg:$0x1] =	wrdreg $0xFFFFFFFF  }
0xaa: {  	s28 =	simm.s32 $_size_execute0_lowered;
	s6 =	sadd.s32 s6, s7;
	[dreg:$0x0] =	wrdreg $0x0  }
0xab: {  	s7 =	sshll.u32 s28, $0x1;
	[dreg:$0x2] =	wrdreg s6  }
0xac: {  	[dreg:$0x3] =	wrdreg s7  }
0xad: {  	[dreg:$0x4] =	wrdreg $0xC0  }
0xae: {  	_ =	task [dreg:s10], $0x5FFFF  }
0xaf: {  	[dreg:$0x1] =	wrdreg $0xFFFFFFFF  }
0xb0: {  	[dreg:$0x0] =	wrdreg $0x60  }
0xb1: {  	[dreg:$0x2] =	wrdreg s2  }
0xb2: {  	[dreg:$0x3] =	wrdreg s19  }
0xb3: {  	[dreg:$0x4] =	wrdreg s4  }
0xb4: {  	[dreg:$0x5] =	wrdreg s5  }
0xb5: {  	[dreg:$0x6] =	wrdreg $0x9  }
0xb6: {  	_ =	task.clear_ibuf [dreg:s10], $0x7FFFF;
	_ =	strace $0x90000046  }
0xb7: {  	s29 =	simm.s32 $0x9;
	_ =	strace $0x80000048  }
0xb8: {  	_ =	swait.ge [sflag:s29], $0x1  }
0xb9: {  	[sflag:s29] =	ssyncadd.s32 $0xFFFFFFFF  }
0xba: {  	_ =	strace $0x90000048  }
0xbb: {  	_ =	sfence  }
0xbc: {  	s30 =	sld [smem:$0x0];
	_ =	sdelay $0x2  }
0xbd: {  	s31 =	sshll.u32 s1, $0xD;
	s1 =	sshrl.u32 s1, $0x2  }
0xbe: {  	s3 =	sand.u32 $0x4000, s31;
	s1 =	sadd.s32 s1, s30  }
0xbf: {  	s0 =	sor.u32 s3, s0;
	s1 =	sshll.u32 s1, $0x11  }
0xc0: {  	s0 =	sor.u32 s1, s0  }
0xc1: {  	s0 =	sadd.s32 $0x8F2B, s0  }
0xc2: {  	[sflag:s0] =	ssyncadd.remote.s32 $0x1  }
0xc3: {  	_ =	sfence.sel $0xFFFF  }
0xc4: {  	[dreg:$0x0] =	wrdreg $0xFFFFFFFF;
	(pc) =	sbr.abs _section_cstart, $3  }
0xc5: {  	[dreg:$0x1] =	wrdreg $0xFFFFFFFF  }
0xc6: {  	_ =	task.clear_ibuf [dreg:s10], $0x2FFFF;
	_ =	strace $0x9FFFFFFF  }
0xc7: {  	(tm) =	ssettm $0x7FFFFFFF  }
tec
execute0_lowered:
.L_overlay_start_1:
0x0: {  	(tag) =	ssettag $0x1  }
0x1: {  	s1 =	srdreg.scid  }
0x2: {  	s0 =	rddreg [dreg:$0x0];
	s4 =	stileid.u32;
	s1 =	sand.u32 $0x1, s1  }
0x3: {  	s2 =	rddreg [dreg:$0x1];
	s5 =	sshll.u32 s4, $0xA;
	s6 =	sshll.u32 s1, $0x9  }
0x4: {  	s3 =	rddreg [dreg:$0x3];
	s4 =	simm.s32 $0x0;
	s6 =	sor.u32 s6, s5  }
0x5: {  	[smem:$0x7FF] =	sst s4;
	s5 =	sadd.s32 s0, s6  }
0x6: {  	_ =	strace $0x80000047;
	s21 =	sadd.s32 $0x10, s5;
	[smem:$0x7FD] =	sst s5  }
0x7: {  	s22 =	sadd.s32 $0x20, s5;
	[dreg:$0x5] =	wrdreg s21  }
0x8: {  	s23 =	sadd.s32 $0x30, s5;
	[dreg:$0x6] =	wrdreg s22  }
0x9: {  	s24 =	sadd.s32 $0x40, s5;
	[dreg:$0x7] =	wrdreg s23  }
0xa: {  	s1 =	ssub.s32 $0x2, s1;
	s25 =	sadd.s32 $0x50, s5;
	[dreg:$0x8] =	wrdreg s24  }
0xb: {  	s7 =	sshrl.u32 s1, $0x1;
	s26 =	sadd.s32 $0x60, s5;
	[dreg:$0x9] =	wrdreg s25  }
0xc: {  	s20 =	ssub.s32 s1, s7;
	s7 =	sadd.s32 $0x70, s5;
	[dreg:$0xa] =	wrdreg s26  }
0xd: {  	s8 =	sadd.s32 $0x4000, s5;
	[dreg:$0xb] =	wrdreg s7  }
0xe: {  	s9 =	sadd.s32 $0x4010, s5;
	[dreg:$0xc] =	wrdreg s8  }
0xf: {  	s10 =	sadd.s32 $0x4020, s5;
	[dreg:$0xd] =	wrdreg s9  }
0x10: {  	s11 =	sadd.s32 $0x4030, s5;
	[dreg:$0xe] =	wrdreg s10  }
0x11: {  	s12 =	sadd.s32 $0x4040, s5;
	[dreg:$0xf] =	wrdreg s11  }
0x12: {  	s13 =	sadd.s32 $0x4050, s5;
	[dreg:$0x10] =	wrdreg s12  }
0x13: {  	s14 =	sadd.s32 $0x4060, s5;
	[dreg:$0x11] =	wrdreg s13  }
0x14: {  	s15 =	sadd.s32 $0x4070, s5;
	[dreg:$0x12] =	wrdreg s14  }
0x15: {  	s31 =	simm.s32 $0x2;
	s17 =	sadd.s32 $0x8000, s5;
	[dreg:$0x13] =	wrdreg s15  }
0x16: {  	s16 =	sshrl.u32 s6, $0x3;
	s18 =	sadd.s32 $0x8010, s5;
	[dreg:$0x14] =	wrdreg s17  }
0x17: {  	s28 =	simm.s32 $0x2200;
	s1 =	sadd.s32 s3, s16;
	[dreg:$0x15] =	wrdreg s18  }
0x18: {  	s29 =	simm.s32 $0x2400;
	s19 =	sadd.s32 $0x8020, s5;
	[dreg:$0x16] =	wrdreg s1  }
0x19: {  	s30 =	simm.s32 $0x2800;
	s0 =	smax.u32 s20, $0x1;
	[dreg:$0x17] =	wrdreg s19  }
0x1a: {  	s6 =	simm.s32 $0x80;
	s20 =	sadd.s32 $0x8030, s5;
	[dreg:$0x18] =	wrdreg s0  }
0x1b: {  	[dreg:$0x19] =	wrdreg s20;
	s21 =	sadd.s32 $0x8040, s5;
	s22 =	sadd.s32 $0x8050, s5  }
0x1c: {  	s23 =	sadd.s32 $0x8060, s5;
	s24 =	sadd.s32 $0x8070, s5;
	s25 =	sadd.s32 $0xC000, s5  }
0x1d: {  	s26 =	sadd.s32 $0xC010, s5;
	s7 =	simm.s32 $0x400;
	[dreg:$0x1a] =	wrdreg s21  }
0x1e: {  	s8 =	simm.s32 $0x200;
	s10 =	simm.s32 $0x1;
	[dreg:$0x1b] =	wrdreg s22  }
0x1f: {  	s12 =	simm.s32 $0x0;
	s17 =	simm.s32 $0xC00;
	[dreg:$0x1c] =	wrdreg s23  }
0x20: {  	s18 =	simm.s32 $0xE00;
	s19 =	simm.s32 $0x1000;
	[dreg:$0x1d] =	wrdreg s24  }
0x21: {  	s20 =	simm.s32 $0x1200;
	s9 =	simm.s32 $0x2600;
	[dreg:$0x1e] =	wrdreg s25  }
0x22: {  	s11 =	simm.s32 $0x2A00;
	s5 =	simm.s32 $0x2E00;
	[dreg:$0x1f] =	wrdreg s26  }
0x23: {  	s21 =	simm.s32 $0x1400;
	s22 =	simm.s32 $0x1600;
	s23 =	simm.s32 $0x1800  }
0x24: {  	s24 =	simm.s32 $0x1A00;
	s25 =	simm.s32 $0x1E00;
	s26 =	simm.s32 $0x2000  }
.LBB2_1:
0x25: {  	s1 =	rddreg [dreg:$0x2]  }
0x26: {  	s0 =	simm.s32 $0x6A00;
	s13 =	sld [smem:$0x7FD]  }
0x27: {  	[tilespmem:s0], [sflag:$0x2] =	stream.linear.gather [hbm4b:s1+s4], $0x80, $0x38;
	[tilespmem:$0x6A80] =	vst v63  }
0x28: {  	_ = 	snop  }
0x29: {  	[tilespmem:s4], [sflag:$0x1] =	stream.strided.gather [hbm4b:s13+s6], $0x200, s7, s6, $0x38;
	[tilespmem:$0x6A80] =	vst v63  }
0x2a: {  	s14 =	rddreg [dreg:$0x5]  }
0x2b: {  	[tilespmem:s8], [sflag:$0x1] =	stream.strided.gather [hbm4b:s14+s6], $0x200, s7, s6, $0x38;
	[tilespmem:$0x6A80] =	vst v63  }
0x2c: {  	s15 =	rddreg [dreg:$0x6]  }
0x2d: {  	[tilespmem:s7], [sflag:$0x1] =	stream.strided.gather [hbm4b:s15+s6], $0x200, s7, s6, $0x38;
	[tilespmem:$0x6A80] =	vst v63  }
0x2e: {  	s16 =	rddreg [dreg:$0x7];
	s14 =	simm.s32 $0x600  }
0x2f: {  	[tilespmem:s14], [sflag:$0x1] =	stream.strided.gather [hbm4b:s16+s6], $0x200, s7, s6, $0x38;
	[tilespmem:$0x6A80] =	vst v63  }
0x30: {  	s0 =	rddreg [dreg:$0x8];
	s15 =	simm.s32 $0x800  }
0x31: {  	[tilespmem:s15], [sflag:$0x1] =	stream.strided.gather [hbm4b:s0+s6], $0x200, s7, s6, $0x38;
	[tilespmem:$0x6A80] =	vst v63  }
0x32: {  	s3 =	rddreg [dreg:$0x9];
	s16 =	simm.s32 $0xA00  }
0x33: {  	[tilespmem:s16], [sflag:$0x1] =	stream.strided.gather [hbm4b:s3+s6], $0x200, s7, s6, $0x38;
	[tilespmem:$0x6A80] =	vst v63  }
0x34: {  	s4 =	rddreg [dreg:$0xa]  }
0x35: {  	[tilespmem:s17], [sflag:$0x1] =	stream.strided.gather [hbm4b:s4+s6], $0x200, s7, s6, $0x38;
	[tilespmem:$0x6A80] =	vst v63  }
0x36: {  	s13 =	rddreg [dreg:$0xb]  }
0x37: {  	[tilespmem:s18], [sflag:$0x1] =	stream.strided.gather [hbm4b:s13+s6], $0x200, s7, s6, $0x38;
	[tilespmem:$0x6A80] =	vst v63  }
0x38: {  	s0 =	rddreg [dreg:$0xc]  }
0x39: {  	[tilespmem:s19], [sflag:$0x1] =	stream.strided.gather [hbm4b:s0+s6], $0x200, s7, s6, $0x38;
	[tilespmem:$0x6A80] =	vst v63  }
0x3a: {  	s3 =	rddreg [dreg:$0xd]  }
0x3b: {  	[tilespmem:s20], [sflag:$0x1] =	stream.strided.gather [hbm4b:s3+s6], $0x200, s7, s6, $0x38;
	[tilespmem:$0x6A80] =	vst v63  }
0x3c: {  	s4 =	rddreg [dreg:$0xe]  }
0x3d: {  	[tilespmem:s21], [sflag:$0x1] =	stream.strided.gather [hbm4b:s4+s6], $0x200, s7, s6, $0x38;
	[tilespmem:$0x6A80] =	vst v63  }
0x3e: {  	s13 =	rddreg [dreg:$0xf]  }
0x3f: {  	[tilespmem:s22], [sflag:$0x1] =	stream.strided.gather [hbm4b:s13+s6], $0x200, s7, s6, $0x38;
	[tilespmem:$0x6A80] =	vst v63  }
0x40: {  	s0 =	rddreg [dreg:$0x10]  }
0x41: {  	[tilespmem:s23], [sflag:$0x1] =	stream.strided.gather [hbm4b:s0+s6], $0x200, s7, s6, $0x38;
	[tilespmem:$0x6A80] =	vst v63  }
0x42: {  	s3 =	rddreg [dreg:$0x11]  }
0x43: {  	[tilespmem:s24], [sflag:$0x1] =	stream.strided.gather [hbm4b:s3+s6], $0x200, s7, s6, $0x38;
	[tilespmem:$0x6A80] =	vst v63  }
0x44: {  	s4 =	rddreg [dreg:$0x12];
	s3 =	simm.s32 $0x1C00  }
0x45: {  	[tilespmem:s3], [sflag:$0x1] =	stream.strided.gather [hbm4b:s4+s6], $0x200, s7, s6, $0x38;
	[tilespmem:$0x6A80] =	vst v63  }
0x46: {  	s13 =	rddreg [dreg:$0x13]  }
0x47: {  	[tilespmem:s25], [sflag:$0x1] =	stream.strided.gather [hbm4b:s13+s6], $0x200, s7, s6, $0x38;
	[tilespmem:$0x6A80] =	vst v63  }
0x48: {  	s0 =	rddreg [dreg:$0x14]  }
0x49: {  	[tilespmem:s26], [sflag:$0x1] =	stream.strided.gather [hbm4b:s0+s6], $0x200, s7, s6, $0x38;
	[tilespmem:$0x6A80] =	vst v63  }
0x4a: {  	s4 =	rddreg [dreg:$0x15]  }
0x4b: {  	[tilespmem:s28], [sflag:$0x1] =	stream.strided.gather [hbm4b:s4+s6], $0x200, s7, s6, $0x38;
	[tilespmem:$0x6A80] =	vst v63  }
0x4c: {  	s13 =	rddreg [dreg:$0x17]  }
0x4d: {  	[tilespmem:s29], [sflag:$0x1] =	stream.strided.gather [hbm4b:s13+s6], $0x200, s7, s6, $0x38;
	[tilespmem:$0x6A80] =	vst v63  }
0x4e: {  	s0 =	rddreg [dreg:$0x19]  }
0x4f: {  	[tilespmem:s9], [sflag:$0x1] =	stream.strided.gather [hbm4b:s0+s6], $0x200, s7, s6, $0x38;
	[tilespmem:$0x6A80] =	vst v63  }
0x50: {  	s4 =	rddreg [dreg:$0x1a]  }
0x51: {  	[tilespmem:s30], [sflag:$0x1] =	stream.strided.gather [hbm4b:s4+s6], $0x200, s7, s6, $0x38;
	[tilespmem:$0x6A80] =	vst v63  }
0x52: {  	s13 =	rddreg [dreg:$0x1b]  }
0x53: {  	[tilespmem:s11], [sflag:$0x1] =	stream.strided.gather [hbm4b:s13+s6], $0x200, s7, s6, $0x38;
	[tilespmem:$0x6A80] =	vst v63  }
0x54: {  	s0 =	rddreg [dreg:$0x1c];
	s4 =	simm.s32 $0x2C00  }
0x55: {  	[tilespmem:s4], [sflag:$0x1] =	stream.strided.gather [hbm4b:s0+s6], $0x200, s7, s6, $0x38;
	[tilespmem:$0x6A80] =	vst v63  }
0x56: {  	s13 =	rddreg [dreg:$0x1d]  }
0x57: {  	[tilespmem:s5], [sflag:$0x1] =	stream.strided.gather [hbm4b:s13+s6], $0x200, s7, s6, $0x38;
	[tilespmem:$0x6A80] =	vst v63  }
0x58: {  	s1 =	rddreg [dreg:$0x1e];
	s13 =	simm.s32 $0x3000  }
0x59: {  	[tilespmem:s13], [sflag:$0x1] =	stream.strided.gather [hbm4b:s1+s6], $0x200, s7, s6, $0x38;
	[tilespmem:$0x6A80] =	vst v63  }
0x5a: {  	s1 =	rddreg [dreg:$0x1f];
	s13 =	simm.s32 $0x3200  }
0x5b: {  	[tilespmem:s13], [sflag:$0x1] =	stream.strided.gather [hbm4b:s1+s6], $0x200, s7, s6, $0x38;
	[tilespmem:$0x6A80] =	vst v63  }
0x5c: {  	_ =	swait.ge [sflag:s10], $0x200  }
0x5d: {  	[sflag:s10] =	ssyncset.done $0x0  }
0x5e: {  	s0 =	simm.s32 $0x0;
	s13 =	simm.s32 $0x3400;
	[sflag:s10] =	ssyncadd.s32 $0xFFFFFE00  }
0x5f: {  	[tilespmem:s13], [sflag:$0x2] =	stream.indirect.gather [hbm4b:s2+s8], $0x1, s0, s8, $0xb8;
	[tilespmem:$0x6A80] =	vst v63  }
0x60: {  	_ =	swait.ge [sflag:s10], $0x200  }
0x61: {  	[sflag:s10] =	ssyncset.done $0x0  }
0x62: {  	s0 =	simm.s32 $0x3600;
	[sflag:s10] =	ssyncadd.s32 $0xFFFFFE00  }
0x63: {  	[tilespmem:s0], [sflag:$0x2] =	stream.indirect.gather [hbm4b:s2+s8], $0x1, s8, s8, $0xb8;
	[tilespmem:$0x6A80] =	vst v63  }
0x64: {  	_ =	swait.ge [sflag:s10], $0x200  }
0x65: {  	[sflag:s10] =	ssyncset.done $0x0  }
0x66: {  	s0 =	simm.s32 $0x3800;
	[sflag:s10] =	ssyncadd.s32 $0xFFFFFE00  }
0x67: {  	[tilespmem:s0], [sflag:$0x2] =	stream.indirect.gather [hbm4b:s2+s8], $0x1, s7, s8, $0xb8;
	[tilespmem:$0x6A80] =	vst v63  }
0x68: {  	_ =	swait.ge [sflag:s10], $0x200  }
0x69: {  	[sflag:s10] =	ssyncset.done $0x0  }
0x6a: {  	s0 =	simm.s32 $0x3A00;
	[sflag:s10] =	ssyncadd.s32 $0xFFFFFE00  }
0x6b: {  	[tilespmem:s0], [sflag:$0x2] =	stream.indirect.gather [hbm4b:s2+s8], $0x1, s14, s8, $0xb8;
	[tilespmem:$0x6A80] =	vst v63  }
0x6c: {  	_ =	swait.ge [sflag:s10], $0x200  }
0x6d: {  	[sflag:s10] =	ssyncset.done $0x0  }
0x6e: {  	s14 =	simm.s32 $0x3C00;
	[sflag:s10] =	ssyncadd.s32 $0xFFFFFE00  }
0x6f: {  	[tilespmem:s14], [sflag:$0x2] =	stream.indirect.gather [hbm4b:s2+s8], $0x1, s15, s8, $0xb8;
	[tilespmem:$0x6A80] =	vst v63  }
0x70: {  	_ =	swait.ge [sflag:s10], $0x200  }
0x71: {  	[sflag:s10] =	ssyncset.done $0x0  }
0x72: {  	s15 =	simm.s32 $0x3E00;
	[sflag:s10] =	ssyncadd.s32 $0xFFFFFE00  }
0x73: {  	[tilespmem:s15], [sflag:$0x2] =	stream.indirect.gather [hbm4b:s2+s8], $0x1, s16, s8, $0xb8;
	[tilespmem:$0x6A80] =	vst v63  }
0x74: {  	_ =	swait.ge [sflag:s10], $0x200  }
0x75: {  	[sflag:s10] =	ssyncset.done $0x0  }
0x76: {  	s16 =	simm.s32 $0x4000;
	[sflag:s10] =	ssyncadd.s32 $0xFFFFFE00  }
0x77: {  	[tilespmem:s16], [sflag:$0x2] =	stream.indirect.gather [hbm4b:s2+s8], $0x1, s17, s8, $0xb8;
	[tilespmem:$0x6A80] =	vst v63  }
0x78: {  	_ =	swait.ge [sflag:s10], $0x200  }
0x79: {  	[sflag:s10] =	ssyncset.done $0x0  }
0x7a: {  	s14 =	simm.s32 $0x4200;
	[sflag:s10] =	ssyncadd.s32 $0xFFFFFE00  }
0x7b: {  	[tilespmem:s14], [sflag:$0x2] =	stream.indirect.gather [hbm4b:s2+s8], $0x1, s18, s8, $0xb8;
	[tilespmem:$0x6A80] =	vst v63  }
0x7c: {  	_ =	swait.ge [sflag:s10], $0x200  }
0x7d: {  	[sflag:s10] =	ssyncset.done $0x0  }
0x7e: {  	s15 =	simm.s32 $0x4400;
	[sflag:s10] =	ssyncadd.s32 $0xFFFFFE00  }
0x7f: {  	[tilespmem:s15], [sflag:$0x2] =	stream.indirect.gather [hbm4b:s2+s8], $0x1, s19, s8, $0xb8;
	[tilespmem:$0x6A80] =	vst v63  }
0x80: {  	_ =	swait.ge [sflag:s10], $0x200  }
0x81: {  	[sflag:s10] =	ssyncset.done $0x0  }
0x82: {  	s16 =	simm.s32 $0x4600;
	[sflag:s10] =	ssyncadd.s32 $0xFFFFFE00  }
0x83: {  	[tilespmem:s16], [sflag:$0x2] =	stream.indirect.gather [hbm4b:s2+s8], $0x1, s20, s8, $0xb8;
	[tilespmem:$0x6A80] =	vst v63  }
0x84: {  	_ =	swait.ge [sflag:s10], $0x200  }
0x85: {  	[sflag:s10] =	ssyncset.done $0x0  }
0x86: {  	s14 =	simm.s32 $0x4800;
	[sflag:s10] =	ssyncadd.s32 $0xFFFFFE00  }
0x87: {  	[tilespmem:s14], [sflag:$0x2] =	stream.indirect.gather [hbm4b:s2+s8], $0x1, s21, s8, $0xb8;
	[tilespmem:$0x6A80] =	vst v63  }
0x88: {  	_ =	swait.ge [sflag:s10], $0x200  }
0x89: {  	[sflag:s10] =	ssyncset.done $0x0  }
0x8a: {  	s15 =	simm.s32 $0x4A00;
	[sflag:s10] =	ssyncadd.s32 $0xFFFFFE00  }
0x8b: {  	[tilespmem:s15], [sflag:$0x2] =	stream.indirect.gather [hbm4b:s2+s8], $0x1, s22, s8, $0xb8;
	[tilespmem:$0x6A80] =	vst v63  }
0x8c: {  	_ =	swait.ge [sflag:s10], $0x200  }
0x8d: {  	[sflag:s10] =	ssyncset.done $0x0  }
0x8e: {  	s16 =	simm.s32 $0x4C00;
	[sflag:s10] =	ssyncadd.s32 $0xFFFFFE00  }
0x8f: {  	[tilespmem:s16], [sflag:$0x2] =	stream.indirect.gather [hbm4b:s2+s8], $0x1, s23, s8, $0xb8;
	[tilespmem:$0x6A80] =	vst v63  }
0x90: {  	_ =	swait.ge [sflag:s10], $0x200  }
0x91: {  	[sflag:s10] =	ssyncset.done $0x0  }
0x92: {  	s14 =	simm.s32 $0x4E00;
	[sflag:s10] =	ssyncadd.s32 $0xFFFFFE00  }
0x93: {  	[tilespmem:s14], [sflag:$0x2] =	stream.indirect.gather [hbm4b:s2+s8], $0x1, s24, s8, $0xb8;
	[tilespmem:$0x6A80] =	vst v63  }
0x94: {  	_ =	swait.ge [sflag:s10], $0x200  }
0x95: {  	[sflag:s10] =	ssyncset.done $0x0  }
0x96: {  	s15 =	simm.s32 $0x5000;
	[sflag:s10] =	ssyncadd.s32 $0xFFFFFE00  }
0x97: {  	[tilespmem:s15], [sflag:$0x2] =	stream.indirect.gather [hbm4b:s2+s8], $0x1, s3, s8, $0xb8;
	[tilespmem:$0x6A80] =	vst v63  }
0x98: {  	_ =	swait.ge [sflag:s10], $0x200  }
0x99: {  	[sflag:s10] =	ssyncset.done $0x0  }
0x9a: {  	s16 =	simm.s32 $0x5200;
	[sflag:s10] =	ssyncadd.s32 $0xFFFFFE00  }
0x9b: {  	[tilespmem:s16], [sflag:$0x2] =	stream.indirect.gather [hbm4b:s2+s8], $0x1, s25, s8, $0xb8;
	[tilespmem:$0x6A80] =	vst v63  }
0x9c: {  	_ =	swait.ge [sflag:s10], $0x200  }
0x9d: {  	[sflag:s10] =	ssyncset.done $0x0  }
0x9e: {  	s3 =	simm.s32 $0x5400;
	[sflag:s10] =	ssyncadd.s32 $0xFFFFFE00  }
0x9f: {  	[tilespmem:s3], [sflag:$0x2] =	stream.indirect.gather [hbm4b:s2+s8], $0x1, s26, s8, $0xb8;
	[tilespmem:$0x6A80] =	vst v63  }
0xa0: {  	_ =	swait.ge [sflag:s10], $0x200  }
0xa1: {  	[sflag:s10] =	ssyncset.done $0x0  }
0xa2: {  	s14 =	simm.s32 $0x5600;
	[sflag:s10] =	ssyncadd.s32 $0xFFFFFE00  }
0xa3: {  	[tilespmem:s14], [sflag:$0x2] =	stream.indirect.gather [hbm4b:s2+s8], $0x1, s28, s8, $0xb8;
	[tilespmem:$0x6A80] =	vst v63  }
0xa4: {  	_ =	swait.ge [sflag:s10], $0x200  }
0xa5: {  	[sflag:s10] =	ssyncset.done $0x0  }
0xa6: {  	s15 =	simm.s32 $0x5800;
	[sflag:s10] =	ssyncadd.s32 $0xFFFFFE00  }
0xa7: {  	[tilespmem:s15], [sflag:$0x2] =	stream.indirect.gather [hbm4b:s2+s8], $0x1, s29, s8, $0xb8;
	[tilespmem:$0x6A80] =	vst v63  }
0xa8: {  	_ =	swait.ge [sflag:s10], $0x200  }
0xa9: {  	[sflag:s10] =	ssyncset.done $0x0  }
0xaa: {  	s16 =	simm.s32 $0x5A00;
	[sflag:s10] =	ssyncadd.s32 $0xFFFFFE00  }
0xab: {  	[tilespmem:s16], [sflag:$0x2] =	stream.indirect.gather [hbm4b:s2+s8], $0x1, s9, s8, $0xb8;
	[tilespmem:$0x6A80] =	vst v63  }
0xac: {  	_ =	swait.ge [sflag:s10], $0x200  }
0xad: {  	[sflag:s10] =	ssyncset.done $0x0  }
0xae: {  	s3 =	simm.s32 $0x5C00;
	[sflag:s10] =	ssyncadd.s32 $0xFFFFFE00  }
0xaf: {  	[tilespmem:s3], [sflag:$0x2] =	stream.indirect.gather [hbm4b:s2+s8], $0x1, s30, s8, $0xb8;
	[tilespmem:$0x6A80] =	vst v63  }
0xb0: {  	_ =	swait.ge [sflag:s10], $0x200  }
0xb1: {  	[sflag:s10] =	ssyncset.done $0x0  }
0xb2: {  	s14 =	simm.s32 $0x5E00;
	[sflag:s10] =	ssyncadd.s32 $0xFFFFFE00  }
0xb3: {  	[tilespmem:s14], [sflag:$0x2] =	stream.indirect.gather [hbm4b:s2+s8], $0x1, s11, s8, $0xb8;
	[tilespmem:$0x6A80] =	vst v63  }
0xb4: {  	_ =	swait.ge [sflag:s10], $0x200  }
0xb5: {  	[sflag:s10] =	ssyncset.done $0x0  }
0xb6: {  	s15 =	simm.s32 $0x6000;
	[sflag:s10] =	ssyncadd.s32 $0xFFFFFE00  }
0xb7: {  	[tilespmem:s15], [sflag:$0x2] =	stream.indirect.gather [hbm4b:s2+s8], $0x1, s4, s8, $0xb8;
	[tilespmem:$0x6A80] =	vst v63  }
0xb8: {  	_ =	swait.ge [sflag:s10], $0x200  }
0xb9: {  	[sflag:s10] =	ssyncset.done $0x0  }
0xba: {  	s16 =	simm.s32 $0x6200;
	[sflag:s10] =	ssyncadd.s32 $0xFFFFFE00  }
0xbb: {  	[tilespmem:s16], [sflag:$0x2] =	stream.indirect.gather [hbm4b:s2+s8], $0x1, s5, s8, $0xb8;
	[tilespmem:$0x6A80] =	vst v63  }
0xbc: {  	_ =	swait.ge [sflag:s10], $0x200  }
0xbd: {  	[sflag:s10] =	ssyncset.done $0x0  }
0xbe: {  	s3 =	simm.s32 $0x6400;
	s4 =	simm.s32 $0x3000;
	[sflag:s10] =	ssyncadd.s32 $0xFFFFFE00  }
0xbf: {  	[tilespmem:s3], [sflag:$0x2] =	stream.indirect.gather [hbm4b:s2+s8], $0x1, s4, s8, $0xb8;
	[tilespmem:$0x6A80] =	vst v63  }
0xc0: {  	_ =	swait.ge [sflag:s10], $0x200  }
0xc1: {  	[sflag:s10] =	ssyncset.done $0x0  }
0xc2: {  	s1 =	simm.s32 $0x3200;
	s14 =	simm.s32 $0x6600;
	[sflag:s10] =	ssyncadd.s32 $0xFFFFFE00  }
0xc3: {  	[tilespmem:s14], [sflag:$0x2] =	stream.indirect.gather [hbm4b:s2+s8], $0x1, s1, s8, $0xb8;
	[tilespmem:$0x6A80] =	vst v63  }
0xc4: {  	_ =	swait.ge [sflag:s31], $0x80  }
0xc5: {  	[sflag:s31] =	ssyncset.done $0x0  }
0xc6: {  	[sflag:s31] =	ssyncadd.s32 $0xFFFFFF80  }
0xc7: {  	_ =	swait.ge [sflag:s31], $0x200  }
0xc8: {  	[sflag:s31] =	ssyncset.done $0x0  }
0xc9: {  	[sflag:s31] =	ssyncadd.s32 $0xFFFFFE00  }
0xca: {  	_ =	swait.ge [sflag:s31], $0x200  }
0xcb: {  	[sflag:s31] =	ssyncset.done $0x0  }
0xcc: {  	[sflag:s31] =	ssyncadd.s32 $0xFFFFFE00  }
0xcd: {  	_ =	swait.ge [sflag:s31], $0x200  }
0xce: {  	[sflag:s31] =	ssyncset.done $0x0  }
0xcf: {  	[sflag:s31] =	ssyncadd.s32 $0xFFFFFE00  }
0xd0: {  	_ =	swait.ge [sflag:s31], $0x200  }
0xd1: {  	[sflag:s31] =	ssyncset.done $0x0  }
0xd2: {  	[sflag:s31] =	ssyncadd.s32 $0xFFFFFE00  }
0xd3: {  	_ =	swait.ge [sflag:s31], $0x200  }
0xd4: {  	[sflag:s31] =	ssyncset.done $0x0  }
0xd5: {  	[sflag:s31] =	ssyncadd.s32 $0xFFFFFE00  }
0xd6: {  	_ =	swait.ge [sflag:s31], $0x200  }
0xd7: {  	[sflag:s31] =	ssyncset.done $0x0  }
0xd8: {  	[sflag:s31] =	ssyncadd.s32 $0xFFFFFE00  }
0xd9: {  	_ =	swait.ge [sflag:s31], $0x200  }
0xda: {  	[sflag:s31] =	ssyncset.done $0x0  }
0xdb: {  	[sflag:s31] =	ssyncadd.s32 $0xFFFFFE00  }
0xdc: {  	_ =	swait.ge [sflag:s31], $0x200  }
0xdd: {  	[sflag:s31] =	ssyncset.done $0x0  }
0xde: {  	[sflag:s31] =	ssyncadd.s32 $0xFFFFFE00  }
0xdf: {  	_ =	swait.ge [sflag:s31], $0x200  }
0xe0: {  	[sflag:s31] =	ssyncset.done $0x0  }
0xe1: {  	[sflag:s31] =	ssyncadd.s32 $0xFFFFFE00  }
0xe2: {  	_ =	swait.ge [sflag:s31], $0x200  }
0xe3: {  	[sflag:s31] =	ssyncset.done $0x0  }
0xe4: {  	[sflag:s31] =	ssyncadd.s32 $0xFFFFFE00  }
0xe5: {  	_ =	swait.ge [sflag:s31], $0x200  }
0xe6: {  	[sflag:s31] =	ssyncset.done $0x0  }
0xe7: {  	[sflag:s31] =	ssyncadd.s32 $0xFFFFFE00  }
0xe8: {  	_ =	swait.ge [sflag:s31], $0x200  }
0xe9: {  	[sflag:s31] =	ssyncset.done $0x0  }
0xea: {  	[sflag:s31] =	ssyncadd.s32 $0xFFFFFE00  }
0xeb: {  	_ =	swait.ge [sflag:s31], $0x200  }
0xec: {  	[sflag:s31] =	ssyncset.done $0x0  }
0xed: {  	[sflag:s31] =	ssyncadd.s32 $0xFFFFFE00  }
0xee: {  	_ =	swait.ge [sflag:s31], $0x200  }
0xef: {  	[sflag:s31] =	ssyncset.done $0x0  }
0xf0: {  	[sflag:s31] =	ssyncadd.s32 $0xFFFFFE00  }
0xf1: {  	_ =	swait.ge [sflag:s31], $0x200  }
0xf2: {  	[sflag:s31] =	ssyncset.done $0x0  }
0xf3: {  	[sflag:s31] =	ssyncadd.s32 $0xFFFFFE00  }
0xf4: {  	_ =	swait.ge [sflag:s31], $0x200  }
0xf5: {  	[sflag:s31] =	ssyncset.done $0x0  }
0xf6: {  	[sflag:s31] =	ssyncadd.s32 $0xFFFFFE00  }
0xf7: {  	_ =	swait.ge [sflag:s31], $0x200  }
0xf8: {  	[sflag:s31] =	ssyncset.done $0x0  }
0xf9: {  	[sflag:s31] =	ssyncadd.s32 $0xFFFFFE00  }
0xfa: {  	_ =	swait.ge [sflag:s31], $0x200  }
0xfb: {  	[sflag:s31] =	ssyncset.done $0x0  }
0xfc: {  	[sflag:s31] =	ssyncadd.s32 $0xFFFFFE00  }
0xfd: {  	_ =	swait.ge [sflag:s31], $0x200  }
0xfe: {  	[sflag:s31] =	ssyncset.done $0x0  }
0xff: {  	[sflag:s31] =	ssyncadd.s32 $0xFFFFFE00  }
0x100: {  	_ =	swait.ge [sflag:s31], $0x200  }
0x101: {  	[sflag:s31] =	ssyncset.done $0x0  }
0x102: {  	[sflag:s31] =	ssyncadd.s32 $0xFFFFFE00  }
0x103: {  	_ =	swait.ge [sflag:s31], $0x200  }
0x104: {  	[sflag:s31] =	ssyncset.done $0x0  }
0x105: {  	[sflag:s31] =	ssyncadd.s32 $0xFFFFFE00  }
0x106: {  	_ =	swait.ge [sflag:s31], $0x200  }
0x107: {  	[sflag:s31] =	ssyncset.done $0x0  }
0x108: {  	[sflag:s31] =	ssyncadd.s32 $0xFFFFFE00  }
0x109: {  	_ =	swait.ge [sflag:s31], $0x200  }
0x10a: {  	[sflag:s31] =	ssyncset.done $0x0  }
0x10b: {  	[sflag:s31] =	ssyncadd.s32 $0xFFFFFE00  }
0x10c: {  	_ =	swait.ge [sflag:s31], $0x200  }
0x10d: {  	[sflag:s31] =	ssyncset.done $0x0  }
0x10e: {  	[sflag:s31] =	ssyncadd.s32 $0xFFFFFE00  }
0x10f: {  	_ =	swait.ge [sflag:s31], $0x200  }
0x110: {  	[sflag:s31] =	ssyncset.done $0x0  }
0x111: {  	[sflag:s31] =	ssyncadd.s32 $0xFFFFFE00  }
0x112: {  	_ =	swait.ge [sflag:s31], $0x200  }
0x113: {  	[sflag:s31] =	ssyncset.done $0x0  }
0x114: {  	s15 =	simm.s32 $0x6A00;
	[sflag:s31] =	ssyncadd.s32 $0xFFFFFE00  }
0x115: {  	v0 =	vld.msk [tilespmem:s15+$0x0], $0xffff  }
0x116: {  	s4 =	simm.s32 $0x0;
	v1 =	vld [tilespmem:s13+$0x0]  }
0x117: {  	s16 =	sand.u32 $0x1F0, s4  }
0x118: {  	v2 =	vld [tilespmem:s16+$0x3600];
	_ =	sdelay $0x1  }
0x119: {  	v3 =	vld [tilespmem:s16+$0x3800]  }
0x11a: {  	v1 =	vadd.f32 v1, v0  }
0x11b: {  	v4 =	vld [tilespmem:s16+$0x3A00]  }
0x11c: {  	v1 =	vadd.f32 v2, v1  }
0x11d: {  	v2 =	vld [tilespmem:s16+$0x3C00]  }
0x11e: {  	v1 =	vadd.f32 v3, v1  }
0x11f: {  	v3 =	vld [tilespmem:s16+$0x3E00]  }
0x120: {  	v1 =	vadd.f32 v4, v1  }
0x121: {  	v57 =	vld [tilespmem:s16+$0x4000]  }
0x122: {  	v1 =	vadd.f32 v2, v1  }
0x123: {  	v2 =	vld [tilespmem:s16+$0x4200]  }
0x124: {  	v1 =	vadd.f32 v3, v1  }
0x125: {  	v3 =	vld [tilespmem:s16+$0x4400]  }
0x126: {  	v1 =	vadd.f32 v57, v1  }
0x127: {  	v58 =	vld [tilespmem:s16+$0x4600]  }
0x128: {  	v1 =	vadd.f32 v2, v1  }
0x129: {  	v2 =	vld [tilespmem:s16+$0x4800]  }
0x12a: {  	v1 =	vadd.f32 v3, v1  }
0x12b: {  	v3 =	vld [tilespmem:s16+$0x4A00]  }
0x12c: {  	v1 =	vadd.f32 v58, v1  }
0x12d: {  	v59 =	vld [tilespmem:s16+$0x4C00]  }
0x12e: {  	v1 =	vadd.f32 v2, v1  }
0x12f: {  	v2 =	vld [tilespmem:s16+$0x4E00]  }
0x130: {  	v1 =	vadd.f32 v3, v1  }
0x131: {  	v3 =	vld [tilespmem:s16+$0x5000]  }
0x132: {  	v1 =	vadd.f32 v59, v1  }
0x133: {  	v60 =	vld [tilespmem:s16+$0x5200]  }
0x134: {  	v1 =	vadd.f32 v2, v1  }
0x135: {  	v2 =	vld [tilespmem:s16+$0x5400]  }
0x136: {  	v1 =	vadd.f32 v3, v1  }
0x137: {  	v3 =	vld [tilespmem:s16+$0x5600]  }
0x138: {  	v1 =	vadd.f32 v60, v1  }
0x139: {  	v61 =	vld [tilespmem:s16+$0x5800]  }
0x13a: {  	v1 =	vadd.f32 v2, v1  }
0x13b: {  	v2 =	vld [tilespmem:s16+$0x5A00]  }
0x13c: {  	v1 =	vadd.f32 v3, v1  }
0x13d: {  	v3 =	vld [tilespmem:s16+$0x5C00]  }
0x13e: {  	v1 =	vadd.f32 v61, v1  }
0x13f: {  	v62 =	vld [tilespmem:s16+$0x5E00]  }
0x140: {  	v1 =	vadd.f32 v2, v1  }
0x141: {  	v2 =	vld [tilespmem:s16+$0x6000]  }
0x142: {  	v1 =	vadd.f32 v3, v1  }
0x143: {  	v3 =	vld [tilespmem:s16+$0x6200]  }
0x144: {  	v1 =	vadd.f32 v62, v1  }
0x145: {  	v63 =	vld [tilespmem:s16+$0x6400]  }
0x146: {  	v1 =	vadd.f32 v2, v1  }
0x147: {  	v2 =	vld [tilespmem:s16+$0x6600]  }
0x148: {  	v1 =	vadd.f32 v3, v1;
	_ =	sdelay $0x1  }
0x149: {  	v1 =	vadd.f32 v63, v1;
	_ =	sdelay $0x1  }
0x14a: {  	v1 =	vadd.f32 v2, v1  }
0x14b: {  	s0 =	simm.s32 $0x6800  }
0x14c: {  	s13 =	simm.s32 $0x3410;
	[tilespmem:s0+$0x0] =	vst v1  }
0x14d: {  	s14 =	simm.s32 $0x10;
	s1 =	simm.s32 $0x6800;
	s15 =	simm.s32 $0x20;
	v1 =	vld [tilespmem:s13+$0x0]  }
.LBB2_2:
0x14e: {  	p0 =	sne.s32 s15, $0x1F0;
	s16 =	sand.u32 $0x1F0, s14;
	s14 =	smov.u32 s15  }
0x14f: {  	v2 =	vld [tilespmem:s16+$0x3600];
	_ =	sdelay $0x1  }
0x150: {  	v3 =	vld [tilespmem:s16+$0x3800]  }
0x151: {  	v1 =	vadd.f32 v1, v0  }
0x152: {  	v4 =	vld [tilespmem:s16+$0x3A00]  }
0x153: {  	v1 =	vadd.f32 v2, v1  }
0x154: {  	v2 =	vld [tilespmem:s16+$0x3C00]  }
0x155: {  	v1 =	vadd.f32 v3, v1  }
0x156: {  	v3 =	vld [tilespmem:s16+$0x3E00]  }
0x157: {  	v1 =	vadd.f32 v4, v1  }
0x158: {  	v4 =	vld [tilespmem:s16+$0x4000]  }
0x159: {  	v1 =	vadd.f32 v2, v1  }
0x15a: {  	v2 =	vld [tilespmem:s16+$0x4200]  }
0x15b: {  	v1 =	vadd.f32 v3, v1  }
0x15c: {  	v3 =	vld [tilespmem:s16+$0x4400]  }
0x15d: {  	v1 =	vadd.f32 v4, v1  }
0x15e: {  	v4 =	vld [tilespmem:s16+$0x4600]  }
0x15f: {  	v1 =	vadd.f32 v2, v1  }
0x160: {  	v2 =	vld [tilespmem:s16+$0x4800]  }
0x161: {  	v1 =	vadd.f32 v3, v1  }
0x162: {  	v3 =	vld [tilespmem:s16+$0x4A00]  }
0x163: {  	v1 =	vadd.f32 v4, v1  }
0x164: {  	v4 =	vld [tilespmem:s16+$0x4C00]  }
0x165: {  	v1 =	vadd.f32 v2, v1  }
0x166: {  	v2 =	vld [tilespmem:s16+$0x4E00]  }
0x167: {  	v1 =	vadd.f32 v3, v1  }
0x168: {  	v3 =	vld [tilespmem:s16+$0x5000]  }
0x169: {  	v1 =	vadd.f32 v4, v1  }
0x16a: {  	v4 =	vld [tilespmem:s16+$0x5200]  }
0x16b: {  	v1 =	vadd.f32 v2, v1  }
0x16c: {  	v2 =	vld [tilespmem:s16+$0x5400]  }
0x16d: {  	v1 =	vadd.f32 v3, v1  }
0x16e: {  	v3 =	vld [tilespmem:s16+$0x5600]  }
0x16f: {  	v1 =	vadd.f32 v4, v1  }
0x170: {  	v4 =	vld [tilespmem:s16+$0x5800]  }
0x171: {  	v1 =	vadd.f32 v2, v1  }
0x172: {  	v2 =	vld [tilespmem:s16+$0x5A00]  }
0x173: {  	v1 =	vadd.f32 v3, v1  }
0x174: {  	v3 =	vld [tilespmem:s16+$0x5C00]  }
0x175: {  	v1 =	vadd.f32 v4, v1  }
0x176: {  	v4 =	vld [tilespmem:s16+$0x5E00]  }
0x177: {  	v1 =	vadd.f32 v2, v1  }
0x178: {  	v2 =	vld [tilespmem:s16+$0x6000]  }
0x179: {  	v1 =	vadd.f32 v3, v1  }
0x17a: {  	v3 =	vld [tilespmem:s16+$0x6200]  }
0x17b: {  	v1 =	vadd.f32 v4, v1  }
0x17c: {  	v4 =	vld [tilespmem:s16+$0x6400]  }
0x17d: {  	v1 =	vadd.f32 v2, v1  }
0x17e: {  	v2 =	vld [tilespmem:s16+$0x6600]  }
0x17f: {  	v1 =	vadd.f32 v3, v1;
	_ =	sdelay $0x1  }
0x180: {  	v1 =	vadd.f32 v4, v1  }
.Ltmp0:
0x181: {  	(pc) =	sbr.rel @p0 .LBB2_2-.Ltmp0, $4  }
0x182: {  	v1 =	vadd.f32 v2, v1  }
0x183: {  	s1 =	sadd.s32 $0x10, s1  }
0x184: {  	s13 =	sadd.s32 $0x10, s13;
	[tilespmem:s1+$0x0] =	vst v1  }
0x185: {  	s15 =	sadd.s32 $0x10, s15;
	v1 =	vld [tilespmem:s13+$0x0]  }
0x186: {  	s13 =	sand.u32 $0x1F0, s14  }
0x187: {  	v2 =	vld [tilespmem:s13+$0x3600];
	_ =	sdelay $0x1  }
0x188: {  	v3 =	vld [tilespmem:s13+$0x3800]  }
0x189: {  	v0 =	vadd.f32 v1, v0  }
0x18a: {  	v41 =	vld [tilespmem:s13+$0x3A00]  }
0x18b: {  	v0 =	vadd.f32 v2, v0  }
0x18c: {  	v42 =	vld [tilespmem:s13+$0x3C00]  }
0x18d: {  	v0 =	vadd.f32 v3, v0  }
0x18e: {  	v43 =	vld [tilespmem:s13+$0x3E00]  }
0x18f: {  	v0 =	vadd.f32 v41, v0  }
0x190: {  	v44 =	vld [tilespmem:s13+$0x4000]  }
0x191: {  	v0 =	vadd.f32 v42, v0  }
0x192: {  	v45 =	vld [tilespmem:s13+$0x4200]  }
0x193: {  	v0 =	vadd.f32 v43, v0  }
0x194: {  	v46 =	vld [tilespmem:s13+$0x4400]  }
0x195: {  	v0 =	vadd.f32 v44, v0  }
0x196: {  	v47 =	vld [tilespmem:s13+$0x4600]  }
0x197: {  	v0 =	vadd.f32 v45, v0  }
0x198: {  	v48 =	vld [tilespmem:s13+$0x4800]  }
0x199: {  	v0 =	vadd.f32 v46, v0  }
0x19a: {  	v49 =	vld [tilespmem:s13+$0x4A00]  }
0x19b: {  	v0 =	vadd.f32 v47, v0  }
0x19c: {  	v50 =	vld [tilespmem:s13+$0x4C00]  }
0x19d: {  	v0 =	vadd.f32 v48, v0  }
0x19e: {  	v51 =	vld [tilespmem:s13+$0x4E00]  }
0x19f: {  	v0 =	vadd.f32 v49, v0  }
0x1a0: {  	v52 =	vld [tilespmem:s13+$0x5000]  }
0x1a1: {  	v0 =	vadd.f32 v50, v0  }
0x1a2: {  	v53 =	vld [tilespmem:s13+$0x5200]  }
0x1a3: {  	v0 =	vadd.f32 v51, v0  }
0x1a4: {  	v54 =	vld [tilespmem:s13+$0x5400]  }
0x1a5: {  	v0 =	vadd.f32 v52, v0  }
0x1a6: {  	v55 =	vld [tilespmem:s13+$0x5600]  }
0x1a7: {  	v0 =	vadd.f32 v53, v0  }
0x1a8: {  	v56 =	vld [tilespmem:s13+$0x5800]  }
0x1a9: {  	v0 =	vadd.f32 v54, v0  }
0x1aa: {  	v57 =	vld [tilespmem:s13+$0x5A00]  }
0x1ab: {  	v0 =	vadd.f32 v55, v0  }
0x1ac: {  	v58 =	vld [tilespmem:s13+$0x5C00]  }
0x1ad: {  	v0 =	vadd.f32 v56, v0  }
0x1ae: {  	v59 =	vld [tilespmem:s13+$0x5E00]  }
0x1af: {  	v0 =	vadd.f32 v57, v0  }
0x1b0: {  	v60 =	vld [tilespmem:s13+$0x6000]  }
0x1b1: {  	v0 =	vadd.f32 v58, v0  }
0x1b2: {  	v61 =	vld [tilespmem:s13+$0x6200]  }
0x1b3: {  	v0 =	vadd.f32 v59, v0  }
0x1b4: {  	v62 =	vld [tilespmem:s13+$0x6400]  }
0x1b5: {  	v0 =	vadd.f32 v60, v0  }
0x1b6: {  	v63 =	vld [tilespmem:s13+$0x6600]  }
0x1b7: {  	v0 =	vadd.f32 v61, v0;
	_ =	sdelay $0x1  }
0x1b8: {  	v0 =	vadd.f32 v62, v0;
	_ =	sdelay $0x1  }
0x1b9: {  	v0 =	vadd.f32 v63, v0  }
0x1ba: {  	s1 =	sadd.s32 $0x10, s1  }
0x1bb: {  	s14 =	rddreg [dreg:$0x16];
	s15 =	simm.s32 $0x3;
	[tilespmem:s1+$0x0] =	vst v0  }
0x1bc: {  	[hbm4b:s14+s4] =	stream.linear.scatter [tilespmem:s0], [sflag:$0x3], $0x200, $0x38;
	[tilespmem:$0x6A80] =	vst v63  }
0x1bd: {  	_ =	swait.ge [sflag:s15], $0x200  }
0x1be: {  	s12 =	sadd.s32 $0x1, s12;
	s16 =	rddreg [dreg:$0x18]  }
0x1bf: {  	p0 =	sne.s32 s12, s16  }
.Ltmp1:
0x1c0: {  	_ = 	snop;
	(pc) =	sbr.rel @p0 .LBB2_1-.Ltmp1, $3  }
0x1c1: {  	_ =	sdelay $0x1  }
0x1c2: {  	[sflag:s15] =	ssyncset.done $0x0  }
0x1c3: {  	[sflag:s15] =	ssyncadd.s32 $0xFFFFFE00  }
0x1c4: {  	_ =	sfence.sel $0x180000  }
0x1c5: {  	[bflag:$0x0] =	sbarrier.arrive $0xFFFF  }
0x1c6: {  	_ =	strace $0x90000047  }
0x1c7: {  	s0 =	stileid.u32;
	[bflag:$0x2] =	sbarrier.arrive $0xFFFF  }
0x1c8: {  	p0 =	sne.s32 s0, $0x0;
	s0 =	rddreg [dreg:$0x4]  }
0x1c9: {  	s0 =	sadd.s32 @!p0 $0x100000, s0  }
0x1ca: {  	[sflag:s0] =	ssyncadd.tile.s32 @!p0 $0x1;
	_ =	shalt  }
.Lfunc_end2:
_tile_overlayer_lowered:
.L_overlay_start_2:
0x1cb: {  	(tag) =	ssettag $0x2  }
0x1cc: {  	s0 =	rddreg [dreg:$0x0];
	s2 =	stileid.u32  }
0x1cd: {  	s1 =	rddreg [dreg:$0x1];
	p0 =	sne.s32 s2, $0x0  }
0x1ce: {  	s3 =	rddreg [dreg:$0x2];
	[bflag:$0x3] =	sbarrier.arrive $0xFFFF;
	s2 =	simm.s32 @!p0 $0x1C03  }
0x1cf: {  	[timem:s3], [sflag:s2] =	dma.local @!p0 [hbm:s0], s1  }
0x1d0: {  	s0 =	simm.s32 @!p0 $0x3  }
0x1d1: {  	_ =	swait.ge @!p0 [sflag:s0], s1  }
0x1d2: {  	s1 =	ssub.s32 @!p0 $0x0, s1;
	[sflag:s0] =	ssyncset.done @!p0 $0x0  }
0x1d3: {  	[sflag:s0] =	ssyncadd.s32 @!p0 s1  }
0x1d4: {  	[bflag:$0x3] =	sbarrier.arrive $0xFFFF  }
0x1d5: {  	_ =	shalt  }

</sc_bundles>
